<compile_context>
chip_gen: v7x
topology: tpu7x:2x2x1
jax: 0.10.2.dev20260603
libtpu: 0.0.44.dev20260713+nightly
codegen_flags: <defaults>
</compile_context>

<pallas_src>
import functools

import jax
import jax.numpy as jnp
from jax import lax
from jax.experimental import pallas as pl
from jax.experimental.pallas import tpu as pltpu
from jax.experimental.pallas import tpu_sc as plsc

N = 10000
NPAD = 10240
E = 320000
D = 128
G = 512
NCLS = 2
NC = 2
NS = 16
NW = NC * NS
K = 125
ECH = E // K
CPT = ECH // NW
RPT = NPAD // NS

_mesh = plsc.VectorSubcoreMesh(core_axis_name="c", subcore_axis_name="s")


_EB = 2000
_NHB = E // _EB


def _hist_scale_body(dst_ref, x_ref, wt_ref, g_ref, dinv_ref, hist_ref):
    i = pl.program_id(0)
    lanes = lax.broadcasted_iota(jnp.int32, (1, D), 1)

    @pl.when(i == 0)
    def _init():
        hist_ref[...] = jnp.zeros((D, D), jnp.float32)

    @pl.when(i < _NHB)
    def _hist():
        d = dst_ref[...]
        a = ((d >> 7) == lanes).astype(jnp.float32)
        b = ((d & 127) == lanes).astype(jnp.float32)
        dn = (((0,), (0,)), ((), ()))
        hist_ref[...] += lax.dot_general(a, b, dn,
                                         preferred_element_type=jnp.float32)

    @pl.when(i == _NHB)
    def _scale():
        n = lax.broadcasted_iota(jnp.int32, (N, D), 0)
        oh_hi = ((n >> 7) == lanes).astype(jnp.float32)
        oh_lo = ((n & 127) == lanes).astype(jnp.float32)
        v = jnp.dot(oh_hi, hist_ref[...], preferred_element_type=jnp.float32)
        deg = jnp.dot(v * oh_lo, jnp.ones((D, D), jnp.float32),
                      preferred_element_type=jnp.float32)
        dinv = lax.rsqrt(deg + 1.0)
        h = jnp.dot(x_ref[...], wt_ref[...],
                    preferred_element_type=jnp.float32)
        g_ref[...] = h * dinv
        dinv_ref[...] = dinv


_hist_scale = pl.pallas_call(
    _hist_scale_body,
    grid=(_NHB + 1,),
    in_specs=[
        pl.BlockSpec((_EB, 1), lambda i: (jnp.minimum(i, _NHB - 1), 0)),
        pl.BlockSpec((N, D), lambda i: (0, 0)),
        pl.BlockSpec((D, D), lambda i: (0, 0)),
    ],
    out_specs=[
        pl.BlockSpec((N, D), lambda i: (0, 0)),
        pl.BlockSpec((N, D), lambda i: (0, 0)),
    ],
    out_shape=[
        jax.ShapeDtypeStruct((N, D), jnp.float32),
        jax.ShapeDtypeStruct((N, D), jnp.float32),
    ],
    scratch_shapes=[pltpu.VMEM((D, D), jnp.float32)],
)


HC = CPT // 2


@functools.partial(
    pl.kernel,
    out_type=jax.ShapeDtypeStruct((NC, NPAD, D), jnp.float32),
    mesh=_mesh,
    scratch_types=[
        pltpu.VMEM((HC, K), jnp.int32),
        pltpu.VMEM((HC, K), jnp.int32),
        pltpu.VMEM((128, D), jnp.float32),
        pltpu.VMEM((128, D), jnp.float32),
        pltpu.VMEM_SHARED((NPAD, D), jnp.float32),
        pltpu.SemaphoreType.DMA,
        pltpu.SemaphoreType.DMA,
        pltpu.SemaphoreType.DMA,
        pltpu.SemaphoreType.DMA,
    ],
)
def _edge_agg(g_hbm, src_hbm, dst_hbm, out_hbm, src_blk, dst_blk, rows0,
              rows1, acc_sh, sg0, sg1, ss0, ss1):
    c = lax.axis_index("c")
    s = lax.axis_index("s")
    wid = s * NC + c
    zeros16 = jnp.zeros((16,), jnp.float32)

    def zrow(i, carry):
        for cc in range(D // 16):
            rows0[i, pl.ds(cc * 16, 16)] = zeros16
        return carry

    lax.fori_loop(0, 128, zrow, 0)
    for r in range(RPT // 128):
        pltpu.sync_copy(rows0, acc_sh.at[pl.ds(s * RPT + r * 128, 128)])
    plsc.subcore_barrier()

    r0 = rows0.at[pl.ds(0, K)]
    r1 = rows1.at[pl.ds(0, K)]

    def inner(i, carry):
        t0 = 2 * i
        t1 = t0 + 1
        pltpu.make_async_copy(g_hbm.at[src_blk.at[t0]], r0, sg0).wait()
        sc0 = pltpu.make_async_copy(r0, acc_sh.at[dst_blk.at[t0]], ss0)
        sc0.start(add=True)
        pltpu.make_async_copy(g_hbm.at[src_blk.at[t1]], r1, sg1).wait()
        sc1 = pltpu.make_async_copy(r1, acc_sh.at[dst_blk.at[t1]], ss1)
        sc1.start(add=True)
        n0 = jnp.minimum(t0 + 2, HC - 2)
        n1 = jnp.minimum(t1 + 2, HC - 1)
        pltpu.make_async_copy(r0, acc_sh.at[dst_blk.at[t0]], ss0).wait()
        pltpu.make_async_copy(g_hbm.at[src_blk.at[n0]], r0, sg0).start()
        pltpu.make_async_copy(r1, acc_sh.at[dst_blk.at[t1]], ss1).wait()
        pltpu.make_async_copy(g_hbm.at[src_blk.at[n1]], r1, sg1).start()
        return carry

    for h in range(2):
        base = wid * CPT + h * HC
        pltpu.sync_copy(src_hbm.at[pl.ds(base, HC)], src_blk)
        pltpu.sync_copy(dst_hbm.at[pl.ds(base, HC)], dst_blk)
        pltpu.make_async_copy(g_hbm.at[src_blk.at[0]], r0, sg0).start()
        pltpu.make_async_copy(g_hbm.at[src_blk.at[1]], r1, sg1).start()
        lax.fori_loop(0, HC // 2, inner, 0)
        pltpu.make_async_copy(g_hbm.at[src_blk.at[0]], r0, sg0).wait()
        pltpu.make_async_copy(g_hbm.at[src_blk.at[1]], r1, sg1).wait()

    plsc.subcore_barrier()
    pltpu.sync_copy(acc_sh.at[pl.ds(s * RPT, RPT)],
                    out_hbm.at[c, pl.ds(s * RPT, RPT)])


_CH = 1000


def _head_body(agg_ref, g_ref, dinv_ref, batch_ref, bconv_ref, bn1w_ref,
               bn1b_ref, linw_ref, linb_ref, bn2w_ref, bn2b_ref, out_ref):
    eps = 1e-5
    agg = agg_ref[0, :N, :] + agg_ref[1, :N, :]
    conv = (agg + g_ref[...]) * dinv_ref[...] + bconv_ref[...]
    m1 = jnp.mean(conv, axis=0, keepdims=True)
    v1 = jnp.mean((conv - m1) ** 2, axis=0, keepdims=True)
    h = jnp.maximum(
        (conv - m1) * lax.rsqrt(v1 + eps) * bn1w_ref[...] + bn1b_ref[...], 0.0)
    iota_g = lax.broadcasted_iota(jnp.int32, (1, G), 1)
    ones_chunk = jnp.ones((_CH, D), jnp.float32)
    acc = jnp.zeros((G, D), jnp.float32)
    cnt = jnp.zeros((G, D), jnp.float32)
    dn = (((0,), (0,)), ((), ()))
    for r in range(N // _CH):
        a = (batch_ref[r * _CH:(r + 1) * _CH, :] == iota_g).astype(jnp.float32)
        hc = h[r * _CH:(r + 1) * _CH, :]
        acc = acc + lax.dot_general(a, hc, dn,
                                    preferred_element_type=jnp.float32)
        cnt = cnt + lax.dot_general(a, ones_chunk, dn,
                                    preferred_element_type=jnp.float32)
    pooled = acc / jnp.maximum(cnt, 1.0)
    dn_nt = (((1,), (1,)), ((), ()))
    o = lax.dot_general(pooled, linw_ref[...], dn_nt,
                        preferred_element_type=jnp.float32) + linb_ref[...]
    m2 = jnp.mean(o, axis=0, keepdims=True)
    v2 = jnp.mean((o - m2) ** 2, axis=0, keepdims=True)
    out_ref[...] = (o - m2) * lax.rsqrt(v2 + eps) * bn2w_ref[...] + bn2b_ref[...]


_pass4 = pl.pallas_call(
    _head_body,
    out_shape=jax.ShapeDtypeStruct((G, NCLS), jnp.float32),
)


def kernel(x, edge_index, batch, W_conv, b_conv, bn1_w, bn1_b, lin_w, lin_b,
           bn2_w, bn2_b):
    src = edge_index[0].astype(jnp.int32)
    dst = edge_index[1].astype(jnp.int32)
    src_p = src.reshape(ECH, K)
    dst_p = dst.reshape(ECH, K)
    g, dinv = _hist_scale(dst.reshape(E, 1), x, W_conv.T)
    agg = _edge_agg(g, src_p, dst_p)
    batch2d = batch.astype(jnp.int32)[:, None]
    return _pass4(agg, g, dinv, batch2d, b_conv[None, :], bn1_w[None, :],
                  bn1_b[None, :], lin_w, lin_b[None, :], bn2_w[None, :],
                  bn2_b[None, :])

# --- scband reference (transcript-rebuilt; emitter-appended) ---
"""Pipeline reference for scband-drug-gnn-89541478187306 (READ-ONLY COPY).

The authoritative reference and input builder live on the scoring server;
editing this copy changes nothing except your own understanding.
"""

import jax, jax.numpy as jnp
import numpy as np

N_NODES = 10000
N_EDGES = 320000
D_IN = 128
D_HID = 128
N_CLASSES = 2
N_GRAPHS = 512


def setup_inputs(seed: int = 0) -> dict:
    key = jax.random.key(seed)
    ks = jax.random.split(key, 8)
    x = jax.random.normal(ks[0], (N_NODES, D_IN), dtype=jnp.float32)
    edge_index = jax.random.randint(ks[1], (2, N_EDGES), 0, N_NODES, dtype=jnp.int64)
    batch = jnp.sort(jax.random.randint(ks[2], (N_NODES,), 0, N_GRAPHS, dtype=jnp.int64))
    # GCNConv lin weight (uniform -0.01..0.01 per _init_weights), bias zeros
    W_conv = jax.random.uniform(ks[3], (D_HID, D_IN), dtype=jnp.float32, minval=-0.01, maxval=0.01)
    b_conv = jnp.zeros((D_HID,), dtype=jnp.float32)
    # BatchNorm1d(hidden): weight=0.1, bias=0
    bn1_w = jnp.full((D_HID,), 0.1, dtype=jnp.float32)
    bn1_b = jnp.zeros((D_HID,), dtype=jnp.float32)
    # output Linear(hidden, num_classes)
    lin_w = jax.random.uniform(ks[4], (N_CLASSES, D_HID), dtype=jnp.float32, minval=-0.01, maxval=0.01)
    lin_b = jnp.zeros((N_CLASSES,), dtype=jnp.float32)
    # BatchNorm1d(num_classes): weight=0.1, bias=0
    bn2_w = jnp.full((N_CLASSES,), 0.1, dtype=jnp.float32)
    bn2_b = jnp.zeros((N_CLASSES,), dtype=jnp.float32)
    return {"x": x, "edge_index": edge_index, "batch": batch,
            "W_conv": W_conv, "b_conv": b_conv,
            "bn1_w": bn1_w, "bn1_b": bn1_b,
            "lin_w": lin_w, "lin_b": lin_b,
            "bn2_w": bn2_w, "bn2_b": bn2_b}


def _batch_norm(h, w, b, eps=1e-5):
    mean = jnp.mean(h, axis=0, keepdims=True)
    var = jnp.var(h, axis=0, keepdims=True)
    return (h - mean) / jnp.sqrt(var + eps) * w + b


def reference(x, edge_index, batch, W_conv, b_conv, bn1_w, bn1_b, lin_w, lin_b, bn2_w, bn2_b):
    N = x.shape[0]
    # --- GCNConv with self-loops and symmetric normalization ---
    loop = jnp.arange(N, dtype=edge_index.dtype)
    src = jnp.concatenate([edge_index[0], loop])
    dst = jnp.concatenate([edge_index[1], loop])
    ones = jnp.ones_like(src, dtype=jnp.float32)
    deg = jax.ops.segment_sum(ones, dst, num_segments=N)
    dinv = jnp.where(deg > 0, 1.0 / jnp.sqrt(deg), 0.0)
    norm = dinv[src] * dinv[dst]
    h = x @ W_conv.T                      # linear transform first
    msg = h[src] * norm[:, None]          # gather + scale (SparseCore gather)
    h = jax.ops.segment_sum(msg, dst, num_segments=N) + b_conv  # scatter-add
    # --- BatchNorm1d(hidden) + ReLU (dropout = identity in eval) ---
    h = _batch_norm(h, bn1_w, bn1_b)
    h = jax.nn.relu(h)
    # --- global_mean_pool over graphs ---
    summed = jax.ops.segment_sum(h, batch, num_segments=N_GRAPHS)
    counts = jax.ops.segment_sum(jnp.ones((N,), dtype=jnp.float32), batch, num_segments=N_GRAPHS)
    pooled = summed / jnp.maximum(counts, 1.0)[:, None]
    # --- output head: Linear + BatchNorm1d ---
    out = pooled @ lin_w.T + lin_b
    out = _batch_norm(out, bn2_w, bn2_b)
    return out

if __name__ == "__main__":
    import jax
    _d = setup_inputs()
    print(jax.jit(kernel)(*tuple(_d.values())))

</pallas_src>

<mosaic_0001>
#map = affine_map<(d0, d1) -> (0, 0)>
#map1 = affine_map<(d0, d1) -> (0, 0, 0)>
module attributes {stable_mosaic.version = 14 : i64} {
  func.func @_edge_agg(%arg0: i32, %arg1: i32, %arg2: memref<10000x128xf32, #tpu.memory_space<hbm>>, %arg3: memref<2560x125xi32, #tpu.memory_space<hbm>>, %arg4: memref<2560x125xi32, #tpu.memory_space<hbm>>, %arg5: memref<2x10240x128xf32, #tpu.memory_space<hbm>>, %arg6: memref<40x125xi32, #tpu.memory_space<vmem>>, %arg7: memref<40x125xi32, #tpu.memory_space<vmem>>, %arg8: memref<128x128xf32, #tpu.memory_space<vmem>>, %arg9: memref<128x128xf32, #tpu.memory_space<vmem>>, %arg10: memref<10240x128xf32, #tpu.memory_space<vmem_shared>>, %arg11: memref<!tpu.dma_semaphore, #tpu.memory_space<semaphore_mem>>, %arg12: memref<!tpu.dma_semaphore, #tpu.memory_space<semaphore_mem>>, %arg13: memref<!tpu.dma_semaphore, #tpu.memory_space<semaphore_mem>>, %arg14: memref<!tpu.dma_semaphore, #tpu.memory_space<semaphore_mem>>) attributes {dimension_semantics = [#tpu.dimension_semantics<core_parallel>, #tpu.dimension_semantics<subcore_parallel>], iteration_bounds = array<i64: 2, 16>, scalar_prefetch = 0 : i64, scratch_operands = 9 : i64, tpu.core_type = #tpu.core_type<sc_vector_subcore>, window_params = [{transform_indices = #map}, {transform_indices = #map}, {transform_indices = #map}, {transform_indices = #map1}]} {
    %mul3A = arith.constant 2 : i32
    %mul3A_0 = arith.muli %arg1, %mul3A : i32
    %add3A = arith.addi %mul3A_0, %arg0 : i32
    %broadcast_in_dim3A = arith.constant 0.000000e+00 : f32
    %broadcast_in_dim3A_1 = vector.broadcast %broadcast_in_dim3A : f32 to vector<16xf32>
    %scan3A = arith.constant 0 : i32
    %scan3A_2 = arith.constant 0 : i32
    %scan3A_3 = arith.constant 128 : i32
    %scan3A_4 = arith.addi %scan3A_2, %scan3A_3 : i32
    %scan3A_5 = arith.constant 1 : i32
    scf.for %scan3A_130 = %scan3A_2 to %scan3A_4 step %scan3A_5  : i32 {
      %swap3A = arith.index_cast %scan3A_130 : i32 to index
      %swap3A_131 = arith.constant 0 : index
      %swap3A_132 = tpu.vector_load %arg8[%swap3A, %swap3A_131] {strides = array<i32>} : memref<128x128xf32, #tpu.memory_space<vmem>>, vector<1x16xf32>,
      %swap3A_133 = vector.shape_cast %swap3A_132 : vector<1x16xf32> to vector<16xf32>
      %swap3A_134 = vector.shape_cast %broadcast_in_dim3A_1 : vector<16xf32> to vector<1x16xf32>
      tpu.vector_store %arg8[%swap3A, %swap3A_131], %swap3A_134 {strides = array<i32>} : memref<128x128xf32, #tpu.memory_space<vmem>>, vector<1x16xf32>,
      %swap3A_135 = arith.index_cast %scan3A_130 : i32 to index
      %swap3A_136 = arith.constant 16 : index
      %swap3A_137 = tpu.vector_load %arg8[%swap3A_135, %swap3A_136] {strides = array<i32>} : memref<128x128xf32, #tpu.memory_space<vmem>>, vector<1x16xf32>,
      %swap3A_138 = vector.shape_cast %swap3A_137 : vector<1x16xf32> to vector<16xf32>
      %swap3A_139 = vector.shape_cast %broadcast_in_dim3A_1 : vector<16xf32> to vector<1x16xf32>
      tpu.vector_store %arg8[%swap3A_135, %swap3A_136], %swap3A_139 {strides = array<i32>} : memref<128x128xf32, #tpu.memory_space<vmem>>, vector<1x16xf32>,
      %swap3A_140 = arith.index_cast %scan3A_130 : i32 to index
      %swap3A_141 = arith.constant 32 : index
      %swap3A_142 = tpu.vector_load %arg8[%swap3A_140, %swap3A_141] {strides = array<i32>} : memref<128x128xf32, #tpu.memory_space<vmem>>, vector<1x16xf32>,
      %swap3A_143 = vector.shape_cast %swap3A_142 : vector<1x16xf32> to vector<16xf32>
      %swap3A_144 = vector.shape_cast %broadcast_in_dim3A_1 : vector<16xf32> to vector<1x16xf32>
      tpu.vector_store %arg8[%swap3A_140, %swap3A_141], %swap3A_144 {strides = array<i32>} : memref<128x128xf32, #tpu.memory_space<vmem>>, vector<1x16xf32>,
      %swap3A_145 = arith.index_cast %scan3A_130 : i32 to index
      %swap3A_146 = arith.constant 48 : index
      %swap3A_147 = tpu.vector_load %arg8[%swap3A_145, %swap3A_146] {strides = array<i32>} : memref<128x128xf32, #tpu.memory_space<vmem>>, vector<1x16xf32>,
      %swap3A_148 = vector.shape_cast %swap3A_147 : vector<1x16xf32> to vector<16xf32>
      %swap3A_149 = vector.shape_cast %broadcast_in_dim3A_1 : vector<16xf32> to vector<1x16xf32>
      tpu.vector_store %arg8[%swap3A_145, %swap3A_146], %swap3A_149 {strides = array<i32>} : memref<128x128xf32, #tpu.memory_space<vmem>>, vector<1x16xf32>,
      %swap3A_150 = arith.index_cast %scan3A_130 : i32 to index
      %swap3A_151 = arith.constant 64 : index
      %swap3A_152 = tpu.vector_load %arg8[%swap3A_150, %swap3A_151] {strides = array<i32>} : memref<128x128xf32, #tpu.memory_space<vmem>>, vector<1x16xf32>,
      %swap3A_153 = vector.shape_cast %swap3A_152 : vector<1x16xf32> to vector<16xf32>
      %swap3A_154 = vector.shape_cast %broadcast_in_dim3A_1 : vector<16xf32> to vector<1x16xf32>
      tpu.vector_store %arg8[%swap3A_150, %swap3A_151], %swap3A_154 {strides = array<i32>} : memref<128x128xf32, #tpu.memory_space<vmem>>, vector<1x16xf32>,
      %swap3A_155 = arith.index_cast %scan3A_130 : i32 to index
      %swap3A_156 = arith.constant 80 : index
      %swap3A_157 = tpu.vector_load %arg8[%swap3A_155, %swap3A_156] {strides = array<i32>} : memref<128x128xf32, #tpu.memory_space<vmem>>, vector<1x16xf32>,
      %swap3A_158 = vector.shape_cast %swap3A_157 : vector<1x16xf32> to vector<16xf32>
      %swap3A_159 = vector.shape_cast %broadcast_in_dim3A_1 : vector<16xf32> to vector<1x16xf32>
      tpu.vector_store %arg8[%swap3A_155, %swap3A_156], %swap3A_159 {strides = array<i32>} : memref<128x128xf32, #tpu.memory_space<vmem>>, vector<1x16xf32>,
      %swap3A_160 = arith.index_cast %scan3A_130 : i32 to index
      %swap3A_161 = arith.constant 96 : index
      %swap3A_162 = tpu.vector_load %arg8[%swap3A_160, %swap3A_161] {strides = array<i32>} : memref<128x128xf32, #tpu.memory_space<vmem>>, vector<1x16xf32>,
      %swap3A_163 = vector.shape_cast %swap3A_162 : vector<1x16xf32> to vector<16xf32>
      %swap3A_164 = vector.shape_cast %broadcast_in_dim3A_1 : vector<16xf32> to vector<1x16xf32>
      tpu.vector_store %arg8[%swap3A_160, %swap3A_161], %swap3A_164 {strides = array<i32>} : memref<128x128xf32, #tpu.memory_space<vmem>>, vector<1x16xf32>,
      %swap3A_165 = arith.index_cast %scan3A_130 : i32 to index
      %swap3A_166 = arith.constant 112 : index
      %swap3A_167 = tpu.vector_load %arg8[%swap3A_165, %swap3A_166] {strides = array<i32>} : memref<128x128xf32, #tpu.memory_space<vmem>>, vector<1x16xf32>,
      %swap3A_168 = vector.shape_cast %swap3A_167 : vector<1x16xf32> to vector<16xf32>
      %swap3A_169 = vector.shape_cast %broadcast_in_dim3A_1 : vector<16xf32> to vector<1x16xf32>
      tpu.vector_store %arg8[%swap3A_165, %swap3A_166], %swap3A_169 {strides = array<i32>} : memref<128x128xf32, #tpu.memory_space<vmem>>, vector<1x16xf32>,
    }
    %scan3A_6 = arith.constant 128 : i32
    %mul3A_7 = arith.constant 640 : i32
    %mul3A_8 = arith.muli %arg1, %mul3A_7 : i32
    %add3A_9 = arith.constant 0 : i32
    %add3A_10 = arith.addi %mul3A_8, %add3A_9 : i32
    "tpu.region"() ({
      %run_scoped3A = tpu.sem_alloc : memref<!tpu.dma_semaphore, #tpu.memory_space<semaphore_mem>>
      %dma_start3A_130 = arith.constant 0 : i32
      %dma_start3A_131 = tpu.memref_slice %arg10[%add3A_10, %dma_start3A_130] : memref<10240x128xf32, #tpu.memory_space<vmem_shared>> -> memref<128x128xf32, #tpu.memory_space<vmem_shared>>
      %dma_start3A_132 = arith.constant 0 : i32
      %dma_start3A_133 = tpu.memref_slice %arg10[%add3A_10, %dma_start3A_132] : memref<10240x128xf32, #tpu.memory_space<vmem_shared>> -> memref<128x128xf32, #tpu.memory_space<vmem_shared>>
      tpu.enqueue_dma source(%arg8 : memref<128x128xf32, #tpu.memory_space<vmem>>) target(%dma_start3A_133 : memref<128x128xf32, #tpu.memory_space<vmem_shared>>) target_semaphore(%run_scoped3A : memref<!tpu.dma_semaphore, #tpu.memory_space<semaphore_mem>>)
      %dma_wait3A_134 = arith.constant 0 : i32
      %dma_wait3A_135 = tpu.memref_slice %arg10[%add3A_10, %dma_wait3A_134] : memref<10240x128xf32, #tpu.memory_space<vmem_shared>> -> memref<128x128xf32, #tpu.memory_space<vmem_shared>>
      %dma_wait3A_136 = arith.constant 0 : i32
      %dma_wait3A_137 = tpu.memref_slice %arg10[%add3A_10, %dma_wait3A_136] : memref<10240x128xf32, #tpu.memory_space<vmem_shared>> -> memref<128x128xf32, #tpu.memory_space<vmem_shared>>
      tpu.wait_dma2 semaphore(%run_scoped3A : memref<!tpu.dma_semaphore, #tpu.memory_space<semaphore_mem>>) src(%arg8 : memref<128x128xf32, #tpu.memory_space<vmem>>) dst(%dma_wait3A_137 : memref<128x128xf32, #tpu.memory_space<vmem_shared>>)
      tpu.yield
    }) : () -> ()
    %mul3A_11 = arith.constant 640 : i32
    %mul3A_12 = arith.muli %arg1, %mul3A_11 : i32
    %add3A_13 = arith.constant 128 : i32
    %add3A_14 = arith.addi %mul3A_12, %add3A_13 : i32
    "tpu.region"() ({
      %run_scoped3A = tpu.sem_alloc : memref<!tpu.dma_semaphore, #tpu.memory_space<semaphore_mem>>
      %dma_start3A_130 = arith.constant 0 : i32
      %dma_start3A_131 = tpu.memref_slice %arg10[%add3A_14, %dma_start3A_130] : memref<10240x128xf32, #tpu.memory_space<vmem_shared>> -> memref<128x128xf32, #tpu.memory_space<vmem_shared>>
      %dma_start3A_132 = arith.constant 0 : i32
      %dma_start3A_133 = tpu.memref_slice %arg10[%add3A_14, %dma_start3A_132] : memref<10240x128xf32, #tpu.memory_space<vmem_shared>> -> memref<128x128xf32, #tpu.memory_space<vmem_shared>>
      tpu.enqueue_dma source(%arg8 : memref<128x128xf32, #tpu.memory_space<vmem>>) target(%dma_start3A_133 : memref<128x128xf32, #tpu.memory_space<vmem_shared>>) target_semaphore(%run_scoped3A : memref<!tpu.dma_semaphore, #tpu.memory_space<semaphore_mem>>)
      %dma_wait3A_134 = arith.constant 0 : i32
      %dma_wait3A_135 = tpu.memref_slice %arg10[%add3A_14, %dma_wait3A_134] : memref<10240x128xf32, #tpu.memory_space<vmem_shared>> -> memref<128x128xf32, #tpu.memory_space<vmem_shared>>
      %dma_wait3A_136 = arith.constant 0 : i32
      %dma_wait3A_137 = tpu.memref_slice %arg10[%add3A_14, %dma_wait3A_136] : memref<10240x128xf32, #tpu.memory_space<vmem_shared>> -> memref<128x128xf32, #tpu.memory_space<vmem_shared>>
      tpu.wait_dma2 semaphore(%run_scoped3A : memref<!tpu.dma_semaphore, #tpu.memory_space<semaphore_mem>>) src(%arg8 : memref<128x128xf32, #tpu.memory_space<vmem>>) dst(%dma_wait3A_137 : memref<128x128xf32, #tpu.memory_space<vmem_shared>>)
      tpu.yield
    }) : () -> ()
    %mul3A_15 = arith.constant 640 : i32
    %mul3A_16 = arith.muli %arg1, %mul3A_15 : i32
    %add3A_17 = arith.constant 256 : i32
    %add3A_18 = arith.addi %mul3A_16, %add3A_17 : i32
    "tpu.region"() ({
      %run_scoped3A = tpu.sem_alloc : memref<!tpu.dma_semaphore, #tpu.memory_space<semaphore_mem>>
      %dma_start3A_130 = arith.constant 0 : i32
      %dma_start3A_131 = tpu.memref_slice %arg10[%add3A_18, %dma_start3A_130] : memref<10240x128xf32, #tpu.memory_space<vmem_shared>> -> memref<128x128xf32, #tpu.memory_space<vmem_shared>>
      %dma_start3A_132 = arith.constant 0 : i32
      %dma_start3A_133 = tpu.memref_slice %arg10[%add3A_18, %dma_start3A_132] : memref<10240x128xf32, #tpu.memory_space<vmem_shared>> -> memref<128x128xf32, #tpu.memory_space<vmem_shared>>
      tpu.enqueue_dma source(%arg8 : memref<128x128xf32, #tpu.memory_space<vmem>>) target(%dma_start3A_133 : memref<128x128xf32, #tpu.memory_space<vmem_shared>>) target_semaphore(%run_scoped3A : memref<!tpu.dma_semaphore, #tpu.memory_space<semaphore_mem>>)
      %dma_wait3A_134 = arith.constant 0 : i32
      %dma_wait3A_135 = tpu.memref_slice %arg10[%add3A_18, %dma_wait3A_134] : memref<10240x128xf32, #tpu.memory_space<vmem_shared>> -> memref<128x128xf32, #tpu.memory_space<vmem_shared>>
      %dma_wait3A_136 = arith.constant 0 : i32
      %dma_wait3A_137 = tpu.memref_slice %arg10[%add3A_18, %dma_wait3A_136] : memref<10240x128xf32, #tpu.memory_space<vmem_shared>> -> memref<128x128xf32, #tpu.memory_space<vmem_shared>>
      tpu.wait_dma2 semaphore(%run_scoped3A : memref<!tpu.dma_semaphore, #tpu.memory_space<semaphore_mem>>) src(%arg8 : memref<128x128xf32, #tpu.memory_space<vmem>>) dst(%dma_wait3A_137 : memref<128x128xf32, #tpu.memory_space<vmem_shared>>)
      tpu.yield
    }) : () -> ()
    %mul3A_19 = arith.constant 640 : i32
    %mul3A_20 = arith.muli %arg1, %mul3A_19 : i32
    %add3A_21 = arith.constant 384 : i32
    %add3A_22 = arith.addi %mul3A_20, %add3A_21 : i32
    "tpu.region"() ({
      %run_scoped3A = tpu.sem_alloc : memref<!tpu.dma_semaphore, #tpu.memory_space<semaphore_mem>>
      %dma_start3A_130 = arith.constant 0 : i32
      %dma_start3A_131 = tpu.memref_slice %arg10[%add3A_22, %dma_start3A_130] : memref<10240x128xf32, #tpu.memory_space<vmem_shared>> -> memref<128x128xf32, #tpu.memory_space<vmem_shared>>
      %dma_start3A_132 = arith.constant 0 : i32
      %dma_start3A_133 = tpu.memref_slice %arg10[%add3A_22, %dma_start3A_132] : memref<10240x128xf32, #tpu.memory_space<vmem_shared>> -> memref<128x128xf32, #tpu.memory_space<vmem_shared>>
      tpu.enqueue_dma source(%arg8 : memref<128x128xf32, #tpu.memory_space<vmem>>) target(%dma_start3A_133 : memref<128x128xf32, #tpu.memory_space<vmem_shared>>) target_semaphore(%run_scoped3A : memref<!tpu.dma_semaphore, #tpu.memory_space<semaphore_mem>>)
      %dma_wait3A_134 = arith.constant 0 : i32
      %dma_wait3A_135 = tpu.memref_slice %arg10[%add3A_22, %dma_wait3A_134] : memref<10240x128xf32, #tpu.memory_space<vmem_shared>> -> memref<128x128xf32, #tpu.memory_space<vmem_shared>>
      %dma_wait3A_136 = arith.constant 0 : i32
      %dma_wait3A_137 = tpu.memref_slice %arg10[%add3A_22, %dma_wait3A_136] : memref<10240x128xf32, #tpu.memory_space<vmem_shared>> -> memref<128x128xf32, #tpu.memory_space<vmem_shared>>
      tpu.wait_dma2 semaphore(%run_scoped3A : memref<!tpu.dma_semaphore, #tpu.memory_space<semaphore_mem>>) src(%arg8 : memref<128x128xf32, #tpu.memory_space<vmem>>) dst(%dma_wait3A_137 : memref<128x128xf32, #tpu.memory_space<vmem_shared>>)
      tpu.yield
    }) : () -> ()
    %mul3A_23 = arith.constant 640 : i32
    %mul3A_24 = arith.muli %arg1, %mul3A_23 : i32
    %add3A_25 = arith.constant 512 : i32
    %add3A_26 = arith.addi %mul3A_24, %add3A_25 : i32
    "tpu.region"() ({
      %run_scoped3A = tpu.sem_alloc : memref<!tpu.dma_semaphore, #tpu.memory_space<semaphore_mem>>
      %dma_start3A_130 = arith.constant 0 : i32
      %dma_start3A_131 = tpu.memref_slice %arg10[%add3A_26, %dma_start3A_130] : memref<10240x128xf32, #tpu.memory_space<vmem_shared>> -> memref<128x128xf32, #tpu.memory_space<vmem_shared>>
      %dma_start3A_132 = arith.constant 0 : i32
      %dma_start3A_133 = tpu.memref_slice %arg10[%add3A_26, %dma_start3A_132] : memref<10240x128xf32, #tpu.memory_space<vmem_shared>> -> memref<128x128xf32, #tpu.memory_space<vmem_shared>>
      tpu.enqueue_dma source(%arg8 : memref<128x128xf32, #tpu.memory_space<vmem>>) target(%dma_start3A_133 : memref<128x128xf32, #tpu.memory_space<vmem_shared>>) target_semaphore(%run_scoped3A : memref<!tpu.dma_semaphore, #tpu.memory_space<semaphore_mem>>)
      %dma_wait3A_134 = arith.constant 0 : i32
      %dma_wait3A_135 = tpu.memref_slice %arg10[%add3A_26, %dma_wait3A_134] : memref<10240x128xf32, #tpu.memory_space<vmem_shared>> -> memref<128x128xf32, #tpu.memory_space<vmem_shared>>
      %dma_wait3A_136 = arith.constant 0 : i32
      %dma_wait3A_137 = tpu.memref_slice %arg10[%add3A_26, %dma_wait3A_136] : memref<10240x128xf32, #tpu.memory_space<vmem_shared>> -> memref<128x128xf32, #tpu.memory_space<vmem_shared>>
      tpu.wait_dma2 semaphore(%run_scoped3A : memref<!tpu.dma_semaphore, #tpu.memory_space<semaphore_mem>>) src(%arg8 : memref<128x128xf32, #tpu.memory_space<vmem>>) dst(%dma_wait3A_137 : memref<128x128xf32, #tpu.memory_space<vmem_shared>>)
      tpu.yield
    }) : () -> ()
    %barrier3A = arith.constant 0 : index
    tpu.barrier barrier_id(%barrier3A)
    %mul3A_27 = arith.constant 80 : i32
    %mul3A_28 = arith.muli %add3A, %mul3A_27 : i32
    %add3A_29 = arith.constant 0 : i32
    %add3A_30 = arith.addi %mul3A_28, %add3A_29 : i32
    "tpu.region"() ({
      %run_scoped3A = tpu.sem_alloc : memref<!tpu.dma_semaphore, #tpu.memory_space<semaphore_mem>>
      %dma_start3A_130 = arith.constant 0 : i32
      %dma_start3A_131 = tpu.memref_slice %arg3[%add3A_30, %dma_start3A_130] : memref<2560x125xi32, #tpu.memory_space<hbm>> -> memref<40x125xi32, #tpu.memory_space<hbm>>
      %dma_start3A_132 = arith.constant 0 : i32
      %dma_start3A_133 = tpu.memref_slice %arg3[%add3A_30, %dma_start3A_132] : memref<2560x125xi32, #tpu.memory_space<hbm>> -> memref<40x125xi32, #tpu.memory_space<hbm>>
      tpu.enqueue_dma source(%dma_start3A_133 : memref<40x125xi32, #tpu.memory_space<hbm>>) target(%arg6 : memref<40x125xi32, #tpu.memory_space<vmem>>) target_semaphore(%run_scoped3A : memref<!tpu.dma_semaphore, #tpu.memory_space<semaphore_mem>>)
      %dma_wait3A_134 = arith.constant 0 : i32
      %dma_wait3A_135 = tpu.memref_slice %arg3[%add3A_30, %dma_wait3A_134] : memref<2560x125xi32, #tpu.memory_space<hbm>> -> memref<40x125xi32, #tpu.memory_space<hbm>>
      %dma_wait3A_136 = arith.constant 0 : i32
      %dma_wait3A_137 = tpu.memref_slice %arg3[%add3A_30, %dma_wait3A_136] : memref<2560x125xi32, #tpu.memory_space<hbm>> -> memref<40x125xi32, #tpu.memory_space<hbm>>
      tpu.wait_dma2 semaphore(%run_scoped3A : memref<!tpu.dma_semaphore, #tpu.memory_space<semaphore_mem>>) src(%dma_wait3A_137 : memref<40x125xi32, #tpu.memory_space<hbm>>) dst(%arg6 : memref<40x125xi32, #tpu.memory_space<vmem>>)
      tpu.yield
    }) : () -> ()
    "tpu.region"() ({
      %run_scoped3A = tpu.sem_alloc : memref<!tpu.dma_semaphore, #tpu.memory_space<semaphore_mem>>
      %dma_start3A_130 = arith.constant 0 : i32
      %dma_start3A_131 = tpu.memref_slice %arg4[%add3A_30, %dma_start3A_130] : memref<2560x125xi32, #tpu.memory_space<hbm>> -> memref<40x125xi32, #tpu.memory_space<hbm>>
      %dma_start3A_132 = arith.constant 0 : i32
      %dma_start3A_133 = tpu.memref_slice %arg4[%add3A_30, %dma_start3A_132] : memref<2560x125xi32, #tpu.memory_space<hbm>> -> memref<40x125xi32, #tpu.memory_space<hbm>>
      tpu.enqueue_dma source(%dma_start3A_133 : memref<40x125xi32, #tpu.memory_space<hbm>>) target(%arg7 : memref<40x125xi32, #tpu.memory_space<vmem>>) target_semaphore(%run_scoped3A : memref<!tpu.dma_semaphore, #tpu.memory_space<semaphore_mem>>)
      %dma_wait3A_134 = arith.constant 0 : i32
      %dma_wait3A_135 = tpu.memref_slice %arg4[%add3A_30, %dma_wait3A_134] : memref<2560x125xi32, #tpu.memory_space<hbm>> -> memref<40x125xi32, #tpu.memory_space<hbm>>
      %dma_wait3A_136 = arith.constant 0 : i32
      %dma_wait3A_137 = tpu.memref_slice %arg4[%add3A_30, %dma_wait3A_136] : memref<2560x125xi32, #tpu.memory_space<hbm>> -> memref<40x125xi32, #tpu.memory_space<hbm>>
      tpu.wait_dma2 semaphore(%run_scoped3A : memref<!tpu.dma_semaphore, #tpu.memory_space<semaphore_mem>>) src(%dma_wait3A_137 : memref<40x125xi32, #tpu.memory_space<hbm>>) dst(%arg7 : memref<40x125xi32, #tpu.memory_space<vmem>>)
      tpu.yield
    }) : () -> ()
    %dma_start3A = arith.constant 0 : i32
    %dma_start3A_31 = arith.constant 0 : i32
    %dma_start3A_32 = arith.constant 0 : i32
    %dma_start3A_33 = tpu.memref_slice %arg8[%dma_start3A_31, %dma_start3A_32] : memref<128x128xf32, #tpu.memory_space<vmem>> -> memref<125x128xf32, #tpu.memory_space<vmem>>
    %dma_start3A_34 = arith.constant 0 : i32
    %dma_start3A_35 = tpu.memref_slice %arg6[%dma_start3A, %dma_start3A_34] : memref<40x125xi32, #tpu.memory_space<vmem>> -> memref<1x125xi32, #tpu.memory_space<vmem>>
    %dma_start3A_36 = tpu.memref_squeeze %dma_start3A_35 : memref<1x125xi32, #tpu.memory_space<vmem>> -> memref<125xi32, #tpu.memory_space<vmem>>
    %dma_start3A_37 = arith.constant 0 : i32
    %dma_start3A_38 = arith.constant 0 : i32
    %dma_start3A_39 = tpu.memref_slice %arg2[%dma_start3A_37, %dma_start3A_38] : memref<10000x128xf32, #tpu.memory_space<hbm>> -> memref<10000x128xf32, #tpu.memory_space<hbm>>
    tpu.enqueue_indirect_dma source(%dma_start3A_39 : memref<10000x128xf32, #tpu.memory_space<hbm>>) target(%dma_start3A_33 : memref<125x128xf32, #tpu.memory_space<vmem>>) offsets(%dma_start3A_36 : memref<125xi32, #tpu.memory_space<vmem>>) semaphore(%arg11 : memref<!tpu.dma_semaphore, #tpu.memory_space<semaphore_mem>>)
    %dma_start3A_40 = arith.constant 1 : i32
    %dma_start3A_41 = arith.constant 0 : i32
    %dma_start3A_42 = arith.constant 0 : i32
    %dma_start3A_43 = tpu.memref_slice %arg9[%dma_start3A_41, %dma_start3A_42] : memref<128x128xf32, #tpu.memory_space<vmem>> -> memref<125x128xf32, #tpu.memory_space<vmem>>
    %dma_start3A_44 = arith.constant 0 : i32
    %dma_start3A_45 = tpu.memref_slice %arg6[%dma_start3A_40, %dma_start3A_44] : memref<40x125xi32, #tpu.memory_space<vmem>> -> memref<1x125xi32, #tpu.memory_space<vmem>>
    %dma_start3A_46 = tpu.memref_squeeze %dma_start3A_45 : memref<1x125xi32, #tpu.memory_space<vmem>> -> memref<125xi32, #tpu.memory_space<vmem>>
    %dma_start3A_47 = arith.constant 0 : i32
    %dma_start3A_48 = arith.constant 0 : i32
    %dma_start3A_49 = tpu.memref_slice %arg2[%dma_start3A_47, %dma_start3A_48] : memref<10000x128xf32, #tpu.memory_space<hbm>> -> memref<10000x128xf32, #tpu.memory_space<hbm>>
    tpu.enqueue_indirect_dma source(%dma_start3A_49 : memref<10000x128xf32, #tpu.memory_space<hbm>>) target(%dma_start3A_43 : memref<125x128xf32, #tpu.memory_space<vmem>>) offsets(%dma_start3A_46 : memref<125xi32, #tpu.memory_space<vmem>>) semaphore(%arg12 : memref<!tpu.dma_semaphore, #tpu.memory_space<semaphore_mem>>)
    %scan3A_50 = arith.constant 0 : i32
    %scan3A_51 = arith.constant 0 : i32
    %scan3A_52 = arith.constant 20 : i32
    %scan3A_53 = arith.addi %scan3A_51, %scan3A_52 : i32
    %scan3A_54 = arith.constant 1 : i32
    scf.for %scan3A_130 = %scan3A_51 to %scan3A_53 step %scan3A_54  : i32 {
      %mul3A_131 = arith.constant 2 : i32
      %mul3A_132 = arith.muli %mul3A_131, %scan3A_130 : i32
      %add3A_133 = arith.constant 1 : i32
      %add3A_134 = arith.addi %mul3A_132, %add3A_133 : i32
      %dma_wait3A_135 = arith.constant 0 : i32
      %dma_wait3A_136 = arith.constant 0 : i32
      %dma_wait3A_137 = tpu.memref_slice %arg8[%dma_wait3A_135, %dma_wait3A_136] : memref<128x128xf32, #tpu.memory_space<vmem>> -> memref<125x128xf32, #tpu.memory_space<vmem>>
      %dma_wait3A_138 = arith.constant 0 : i32
      %dma_wait3A_139 = tpu.memref_slice %arg6[%mul3A_132, %dma_wait3A_138] : memref<40x125xi32, #tpu.memory_space<vmem>> -> memref<1x125xi32, #tpu.memory_space<vmem>>
      %dma_wait3A_140 = tpu.memref_squeeze %dma_wait3A_139 : memref<1x125xi32, #tpu.memory_space<vmem>> -> memref<125xi32, #tpu.memory_space<vmem>>
      %dma_wait3A_141 = arith.constant 0 : i32
      %dma_wait3A_142 = arith.constant 0 : i32
      %dma_wait3A_143 = tpu.memref_slice %arg2[%dma_wait3A_141, %dma_wait3A_142] : memref<10000x128xf32, #tpu.memory_space<hbm>> -> memref<10000x128xf32, #tpu.memory_space<hbm>>
      tpu.wait_indirect_dma semaphore(%arg11 : memref<!tpu.dma_semaphore, #tpu.memory_space<semaphore_mem>>) src(%dma_wait3A_143 : memref<10000x128xf32, #tpu.memory_space<hbm>>) dst(%dma_wait3A_137 : memref<125x128xf32, #tpu.memory_space<vmem>>)
      %dma_start3A_144 = arith.constant 0 : i32
      %dma_start3A_145 = arith.constant 0 : i32
      %dma_start3A_146 = tpu.memref_slice %arg8[%dma_start3A_144, %dma_start3A_145] : memref<128x128xf32, #tpu.memory_space<vmem>> -> memref<125x128xf32, #tpu.memory_space<vmem>>
      %dma_start3A_147 = arith.constant 0 : i32
      %dma_start3A_148 = tpu.memref_slice %arg7[%mul3A_132, %dma_start3A_147] : memref<40x125xi32, #tpu.memory_space<vmem>> -> memref<1x125xi32, #tpu.memory_space<vmem>>
      %dma_start3A_149 = tpu.memref_squeeze %dma_start3A_148 : memref<1x125xi32, #tpu.memory_space<vmem>> -> memref<125xi32, #tpu.memory_space<vmem>>
      %dma_start3A_150 = arith.constant 0 : i32
      %dma_start3A_151 = arith.constant 0 : i32
      %dma_start3A_152 = tpu.memref_slice %arg10[%dma_start3A_150, %dma_start3A_151] : memref<10240x128xf32, #tpu.memory_space<vmem_shared>> -> memref<10240x128xf32, #tpu.memory_space<vmem_shared>>
      tpu.enqueue_indirect_dma source(%dma_start3A_146 : memref<125x128xf32, #tpu.memory_space<vmem>>) target(%dma_start3A_152 : memref<10240x128xf32, #tpu.memory_space<vmem_shared>>) offsets(%dma_start3A_149 : memref<125xi32, #tpu.memory_space<vmem>>) semaphore(%arg13 : memref<!tpu.dma_semaphore, #tpu.memory_space<semaphore_mem>>) {add = true}
      %dma_wait3A_153 = arith.constant 0 : i32
      %dma_wait3A_154 = arith.constant 0 : i32
      %dma_wait3A_155 = tpu.memref_slice %arg9[%dma_wait3A_153, %dma_wait3A_154] : memref<128x128xf32, #tpu.memory_space<vmem>> -> memref<125x128xf32, #tpu.memory_space<vmem>>
      %dma_wait3A_156 = arith.constant 0 : i32
      %dma_wait3A_157 = tpu.memref_slice %arg6[%add3A_134, %dma_wait3A_156] : memref<40x125xi32, #tpu.memory_space<vmem>> -> memref<1x125xi32, #tpu.memory_space<vmem>>
      %dma_wait3A_158 = tpu.memref_squeeze %dma_wait3A_157 : memref<1x125xi32, #tpu.memory_space<vmem>> -> memref<125xi32, #tpu.memory_space<vmem>>
      %dma_wait3A_159 = arith.constant 0 : i32
      %dma_wait3A_160 = arith.constant 0 : i32
      %dma_wait3A_161 = tpu.memref_slice %arg2[%dma_wait3A_159, %dma_wait3A_160] : memref<10000x128xf32, #tpu.memory_space<hbm>> -> memref<10000x128xf32, #tpu.memory_space<hbm>>
      tpu.wait_indirect_dma semaphore(%arg12 : memref<!tpu.dma_semaphore, #tpu.memory_space<semaphore_mem>>) src(%dma_wait3A_161 : memref<10000x128xf32, #tpu.memory_space<hbm>>) dst(%dma_wait3A_155 : memref<125x128xf32, #tpu.memory_space<vmem>>)
      %dma_start3A_162 = arith.constant 0 : i32
      %dma_start3A_163 = arith.constant 0 : i32
      %dma_start3A_164 = tpu.memref_slice %arg9[%dma_start3A_162, %dma_start3A_163] : memref<128x128xf32, #tpu.memory_space<vmem>> -> memref<125x128xf32, #tpu.memory_space<vmem>>
      %dma_start3A_165 = arith.constant 0 : i32
      %dma_start3A_166 = tpu.memref_slice %arg7[%add3A_134, %dma_start3A_165] : memref<40x125xi32, #tpu.memory_space<vmem>> -> memref<1x125xi32, #tpu.memory_space<vmem>>
      %dma_start3A_167 = tpu.memref_squeeze %dma_start3A_166 : memref<1x125xi32, #tpu.memory_space<vmem>> -> memref<125xi32, #tpu.memory_space<vmem>>
      %dma_start3A_168 = arith.constant 0 : i32
      %dma_start3A_169 = arith.constant 0 : i32
      %dma_start3A_170 = tpu.memref_slice %arg10[%dma_start3A_168, %dma_start3A_169] : memref<10240x128xf32, #tpu.memory_space<vmem_shared>> -> memref<10240x128xf32, #tpu.memory_space<vmem_shared>>
      tpu.enqueue_indirect_dma source(%dma_start3A_164 : memref<125x128xf32, #tpu.memory_space<vmem>>) target(%dma_start3A_170 : memref<10240x128xf32, #tpu.memory_space<vmem_shared>>) offsets(%dma_start3A_167 : memref<125xi32, #tpu.memory_space<vmem>>) semaphore(%arg14 : memref<!tpu.dma_semaphore, #tpu.memory_space<semaphore_mem>>) {add = true}
      %add3A_171 = arith.constant 2 : i32
      %add3A_172 = arith.addi %mul3A_132, %add3A_171 : i32
      %min3A = arith.constant 38 : i32
      %min3A_173 = arith.minsi %add3A_172, %min3A : i32
      %add3A_174 = arith.constant 2 : i32
      %add3A_175 = arith.addi %add3A_134, %add3A_174 : i32
      %min3A_176 = arith.constant 39 : i32
      %min3A_177 = arith.minsi %add3A_175, %min3A_176 : i32
      %dma_wait3A_178 = arith.constant 0 : i32
      %dma_wait3A_179 = arith.constant 0 : i32
      %dma_wait3A_180 = tpu.memref_slice %arg8[%dma_wait3A_178, %dma_wait3A_179] : memref<128x128xf32, #tpu.memory_space<vmem>> -> memref<125x128xf32, #tpu.memory_space<vmem>>
      %dma_wait3A_181 = arith.constant 0 : i32
      %dma_wait3A_182 = tpu.memref_slice %arg7[%mul3A_132, %dma_wait3A_181] : memref<40x125xi32, #tpu.memory_space<vmem>> -> memref<1x125xi32, #tpu.memory_space<vmem>>
      %dma_wait3A_183 = tpu.memref_squeeze %dma_wait3A_182 : memref<1x125xi32, #tpu.memory_space<vmem>> -> memref<125xi32, #tpu.memory_space<vmem>>
      %dma_wait3A_184 = arith.constant 0 : i32
      %dma_wait3A_185 = arith.constant 0 : i32
      %dma_wait3A_186 = tpu.memref_slice %arg10[%dma_wait3A_184, %dma_wait3A_185] : memref<10240x128xf32, #tpu.memory_space<vmem_shared>> -> memref<10240x128xf32, #tpu.memory_space<vmem_shared>>
      tpu.wait_indirect_dma semaphore(%arg13 : memref<!tpu.dma_semaphore, #tpu.memory_space<semaphore_mem>>) src(%dma_wait3A_180 : memref<125x128xf32, #tpu.memory_space<vmem>>) dst(%dma_wait3A_186 : memref<10240x128xf32, #tpu.memory_space<vmem_shared>>)
      %dma_start3A_187 = arith.constant 0 : i32
      %dma_start3A_188 = arith.constant 0 : i32
      %dma_start3A_189 = tpu.memref_slice %arg8[%dma_start3A_187, %dma_start3A_188] : memref<128x128xf32, #tpu.memory_space<vmem>> -> memref<125x128xf32, #tpu.memory_space<vmem>>
      %dma_start3A_190 = arith.constant 0 : i32
      %dma_start3A_191 = tpu.memref_slice %arg6[%min3A_173, %dma_start3A_190] : memref<40x125xi32, #tpu.memory_space<vmem>> -> memref<1x125xi32, #tpu.memory_space<vmem>>
      %dma_start3A_192 = tpu.memref_squeeze %dma_start3A_191 : memref<1x125xi32, #tpu.memory_space<vmem>> -> memref<125xi32, #tpu.memory_space<vmem>>
      %dma_start3A_193 = arith.constant 0 : i32
      %dma_start3A_194 = arith.constant 0 : i32
      %dma_start3A_195 = tpu.memref_slice %arg2[%dma_start3A_193, %dma_start3A_194] : memref<10000x128xf32, #tpu.memory_space<hbm>> -> memref<10000x128xf32, #tpu.memory_space<hbm>>
      tpu.enqueue_indirect_dma source(%dma_start3A_195 : memref<10000x128xf32, #tpu.memory_space<hbm>>) target(%dma_start3A_189 : memref<125x128xf32, #tpu.memory_space<vmem>>) offsets(%dma_start3A_192 : memref<125xi32, #tpu.memory_space<vmem>>) semaphore(%arg11 : memref<!tpu.dma_semaphore, #tpu.memory_space<semaphore_mem>>)
      %dma_wait3A_196 = arith.constant 0 : i32
      %dma_wait3A_197 = arith.constant 0 : i32
      %dma_wait3A_198 = tpu.memref_slice %arg9[%dma_wait3A_196, %dma_wait3A_197] : memref<128x128xf32, #tpu.memory_space<vmem>> -> memref<125x128xf32, #tpu.memory_space<vmem>>
      %dma_wait3A_199 = arith.constant 0 : i32
      %dma_wait3A_200 = tpu.memref_slice %arg7[%add3A_134, %dma_wait3A_199] : memref<40x125xi32, #tpu.memory_space<vmem>> -> memref<1x125xi32, #tpu.memory_space<vmem>>
      %dma_wait3A_201 = tpu.memref_squeeze %dma_wait3A_200 : memref<1x125xi32, #tpu.memory_space<vmem>> -> memref<125xi32, #tpu.memory_space<vmem>>
      %dma_wait3A_202 = arith.constant 0 : i32
      %dma_wait3A_203 = arith.constant 0 : i32
      %dma_wait3A_204 = tpu.memref_slice %arg10[%dma_wait3A_202, %dma_wait3A_203] : memref<10240x128xf32, #tpu.memory_space<vmem_shared>> -> memref<10240x128xf32, #tpu.memory_space<vmem_shared>>
      tpu.wait_indirect_dma semaphore(%arg14 : memref<!tpu.dma_semaphore, #tpu.memory_space<semaphore_mem>>) src(%dma_wait3A_198 : memref<125x128xf32, #tpu.memory_space<vmem>>) dst(%dma_wait3A_204 : memref<10240x128xf32, #tpu.memory_space<vmem_shared>>)
      %dma_start3A_205 = arith.constant 0 : i32
      %dma_start3A_206 = arith.constant 0 : i32
      %dma_start3A_207 = tpu.memref_slice %arg9[%dma_start3A_205, %dma_start3A_206] : memref<128x128xf32, #tpu.memory_space<vmem>> -> memref<125x128xf32, #tpu.memory_space<vmem>>
      %dma_start3A_208 = arith.constant 0 : i32
      %dma_start3A_209 = tpu.memref_slice %arg6[%min3A_177, %dma_start3A_208] : memref<40x125xi32, #tpu.memory_space<vmem>> -> memref<1x125xi32, #tpu.memory_space<vmem>>
      %dma_start3A_210 = tpu.memref_squeeze %dma_start3A_209 : memref<1x125xi32, #tpu.memory_space<vmem>> -> memref<125xi32, #tpu.memory_space<vmem>>
      %dma_start3A_211 = arith.constant 0 : i32
      %dma_start3A_212 = arith.constant 0 : i32
      %dma_start3A_213 = tpu.memref_slice %arg2[%dma_start3A_211, %dma_start3A_212] : memref<10000x128xf32, #tpu.memory_space<hbm>> -> memref<10000x128xf32, #tpu.memory_space<hbm>>
      tpu.enqueue_indirect_dma source(%dma_start3A_213 : memref<10000x128xf32, #tpu.memory_space<hbm>>) target(%dma_start3A_207 : memref<125x128xf32, #tpu.memory_space<vmem>>) offsets(%dma_start3A_210 : memref<125xi32, #tpu.memory_space<vmem>>) semaphore(%arg12 : memref<!tpu.dma_semaphore, #tpu.memory_space<semaphore_mem>>)
    }
    %scan3A_55 = arith.constant 20 : i32
    %dma_wait3A = arith.constant 0 : i32
    %dma_wait3A_56 = arith.constant 0 : i32
    %dma_wait3A_57 = arith.constant 0 : i32
    %dma_wait3A_58 = tpu.memref_slice %arg8[%dma_wait3A_56, %dma_wait3A_57] : memref<128x128xf32, #tpu.memory_space<vmem>> -> memref<125x128xf32, #tpu.memory_space<vmem>>
    %dma_wait3A_59 = arith.constant 0 : i32
    %dma_wait3A_60 = tpu.memref_slice %arg6[%dma_wait3A, %dma_wait3A_59] : memref<40x125xi32, #tpu.memory_space<vmem>> -> memref<1x125xi32, #tpu.memory_space<vmem>>
    %dma_wait3A_61 = tpu.memref_squeeze %dma_wait3A_60 : memref<1x125xi32, #tpu.memory_space<vmem>> -> memref<125xi32, #tpu.memory_space<vmem>>
    %dma_wait3A_62 = arith.constant 0 : i32
    %dma_wait3A_63 = arith.constant 0 : i32
    %dma_wait3A_64 = tpu.memref_slice %arg2[%dma_wait3A_62, %dma_wait3A_63] : memref<10000x128xf32, #tpu.memory_space<hbm>> -> memref<10000x128xf32, #tpu.memory_space<hbm>>
    tpu.wait_indirect_dma semaphore(%arg11 : memref<!tpu.dma_semaphore, #tpu.memory_space<semaphore_mem>>) src(%dma_wait3A_64 : memref<10000x128xf32, #tpu.memory_space<hbm>>) dst(%dma_wait3A_58 : memref<125x128xf32, #tpu.memory_space<vmem>>)
    %dma_wait3A_65 = arith.constant 1 : i32
    %dma_wait3A_66 = arith.constant 0 : i32
    %dma_wait3A_67 = arith.constant 0 : i32
    %dma_wait3A_68 = tpu.memref_slice %arg9[%dma_wait3A_66, %dma_wait3A_67] : memref<128x128xf32, #tpu.memory_space<vmem>> -> memref<125x128xf32, #tpu.memory_space<vmem>>
    %dma_wait3A_69 = arith.constant 0 : i32
    %dma_wait3A_70 = tpu.memref_slice %arg6[%dma_wait3A_65, %dma_wait3A_69] : memref<40x125xi32, #tpu.memory_space<vmem>> -> memref<1x125xi32, #tpu.memory_space<vmem>>
    %dma_wait3A_71 = tpu.memref_squeeze %dma_wait3A_70 : memref<1x125xi32, #tpu.memory_space<vmem>> -> memref<125xi32, #tpu.memory_space<vmem>>
    %dma_wait3A_72 = arith.constant 0 : i32
    %dma_wait3A_73 = arith.constant 0 : i32
    %dma_wait3A_74 = tpu.memref_slice %arg2[%dma_wait3A_72, %dma_wait3A_73] : memref<10000x128xf32, #tpu.memory_space<hbm>> -> memref<10000x128xf32, #tpu.memory_space<hbm>>
    tpu.wait_indirect_dma semaphore(%arg12 : memref<!tpu.dma_semaphore, #tpu.memory_space<semaphore_mem>>) src(%dma_wait3A_74 : memref<10000x128xf32, #tpu.memory_space<hbm>>) dst(%dma_wait3A_68 : memref<125x128xf32, #tpu.memory_space<vmem>>)
    %mul3A_75 = arith.constant 80 : i32
    %mul3A_76 = arith.muli %add3A, %mul3A_75 : i32
    %add3A_77 = arith.constant 40 : i32
    %add3A_78 = arith.addi %mul3A_76, %add3A_77 : i32
    "tpu.region"() ({
      %run_scoped3A = tpu.sem_alloc : memref<!tpu.dma_semaphore, #tpu.memory_space<semaphore_mem>>
      %dma_start3A_130 = arith.constant 0 : i32
      %dma_start3A_131 = tpu.memref_slice %arg3[%add3A_78, %dma_start3A_130] : memref<2560x125xi32, #tpu.memory_space<hbm>> -> memref<40x125xi32, #tpu.memory_space<hbm>>
      %dma_start3A_132 = arith.constant 0 : i32
      %dma_start3A_133 = tpu.memref_slice %arg3[%add3A_78, %dma_start3A_132] : memref<2560x125xi32, #tpu.memory_space<hbm>> -> memref<40x125xi32, #tpu.memory_space<hbm>>
      tpu.enqueue_dma source(%dma_start3A_133 : memref<40x125xi32, #tpu.memory_space<hbm>>) target(%arg6 : memref<40x125xi32, #tpu.memory_space<vmem>>) target_semaphore(%run_scoped3A : memref<!tpu.dma_semaphore, #tpu.memory_space<semaphore_mem>>)
      %dma_wait3A_134 = arith.constant 0 : i32
      %dma_wait3A_135 = tpu.memref_slice %arg3[%add3A_78, %dma_wait3A_134] : memref<2560x125xi32, #tpu.memory_space<hbm>> -> memref<40x125xi32, #tpu.memory_space<hbm>>
      %dma_wait3A_136 = arith.constant 0 : i32
      %dma_wait3A_137 = tpu.memref_slice %arg3[%add3A_78, %dma_wait3A_136] : memref<2560x125xi32, #tpu.memory_space<hbm>> -> memref<40x125xi32, #tpu.memory_space<hbm>>
      tpu.wait_dma2 semaphore(%run_scoped3A : memref<!tpu.dma_semaphore, #tpu.memory_space<semaphore_mem>>) src(%dma_wait3A_137 : memref<40x125xi32, #tpu.memory_space<hbm>>) dst(%arg6 : memref<40x125xi32, #tpu.memory_space<vmem>>)
      tpu.yield
    }) : () -> ()
    "tpu.region"() ({
      %run_scoped3A = tpu.sem_alloc : memref<!tpu.dma_semaphore, #tpu.memory_space<semaphore_mem>>
      %dma_start3A_130 = arith.constant 0 : i32
      %dma_start3A_131 = tpu.memref_slice %arg4[%add3A_78, %dma_start3A_130] : memref<2560x125xi32, #tpu.memory_space<hbm>> -> memref<40x125xi32, #tpu.memory_space<hbm>>
      %dma_start3A_132 = arith.constant 0 : i32
      %dma_start3A_133 = tpu.memref_slice %arg4[%add3A_78, %dma_start3A_132] : memref<2560x125xi32, #tpu.memory_space<hbm>> -> memref<40x125xi32, #tpu.memory_space<hbm>>
      tpu.enqueue_dma source(%dma_start3A_133 : memref<40x125xi32, #tpu.memory_space<hbm>>) target(%arg7 : memref<40x125xi32, #tpu.memory_space<vmem>>) target_semaphore(%run_scoped3A : memref<!tpu.dma_semaphore, #tpu.memory_space<semaphore_mem>>)
      %dma_wait3A_134 = arith.constant 0 : i32
      %dma_wait3A_135 = tpu.memref_slice %arg4[%add3A_78, %dma_wait3A_134] : memref<2560x125xi32, #tpu.memory_space<hbm>> -> memref<40x125xi32, #tpu.memory_space<hbm>>
      %dma_wait3A_136 = arith.constant 0 : i32
      %dma_wait3A_137 = tpu.memref_slice %arg4[%add3A_78, %dma_wait3A_136] : memref<2560x125xi32, #tpu.memory_space<hbm>> -> memref<40x125xi32, #tpu.memory_space<hbm>>
      tpu.wait_dma2 semaphore(%run_scoped3A : memref<!tpu.dma_semaphore, #tpu.memory_space<semaphore_mem>>) src(%dma_wait3A_137 : memref<40x125xi32, #tpu.memory_space<hbm>>) dst(%arg7 : memref<40x125xi32, #tpu.memory_space<vmem>>)
      tpu.yield
    }) : () -> ()
    %dma_start3A_79 = arith.constant 0 : i32
    %dma_start3A_80 = arith.constant 0 : i32
    %dma_start3A_81 = arith.constant 0 : i32
    %dma_start3A_82 = tpu.memref_slice %arg8[%dma_start3A_80, %dma_start3A_81] : memref<128x128xf32, #tpu.memory_space<vmem>> -> memref<125x128xf32, #tpu.memory_space<vmem>>
    %dma_start3A_83 = arith.constant 0 : i32
    %dma_start3A_84 = tpu.memref_slice %arg6[%dma_start3A_79, %dma_start3A_83] : memref<40x125xi32, #tpu.memory_space<vmem>> -> memref<1x125xi32, #tpu.memory_space<vmem>>
    %dma_start3A_85 = tpu.memref_squeeze %dma_start3A_84 : memref<1x125xi32, #tpu.memory_space<vmem>> -> memref<125xi32, #tpu.memory_space<vmem>>
    %dma_start3A_86 = arith.constant 0 : i32
    %dma_start3A_87 = arith.constant 0 : i32
    %dma_start3A_88 = tpu.memref_slice %arg2[%dma_start3A_86, %dma_start3A_87] : memref<10000x128xf32, #tpu.memory_space<hbm>> -> memref<10000x128xf32, #tpu.memory_space<hbm>>
    tpu.enqueue_indirect_dma source(%dma_start3A_88 : memref<10000x128xf32, #tpu.memory_space<hbm>>) target(%dma_start3A_82 : memref<125x128xf32, #tpu.memory_space<vmem>>) offsets(%dma_start3A_85 : memref<125xi32, #tpu.memory_space<vmem>>) semaphore(%arg11 : memref<!tpu.dma_semaphore, #tpu.memory_space<semaphore_mem>>)
    %dma_start3A_89 = arith.constant 1 : i32
    %dma_start3A_90 = arith.constant 0 : i32
    %dma_start3A_91 = arith.constant 0 : i32
    %dma_start3A_92 = tpu.memref_slice %arg9[%dma_start3A_90, %dma_start3A_91] : memref<128x128xf32, #tpu.memory_space<vmem>> -> memref<125x128xf32, #tpu.memory_space<vmem>>
    %dma_start3A_93 = arith.constant 0 : i32
    %dma_start3A_94 = tpu.memref_slice %arg6[%dma_start3A_89, %dma_start3A_93] : memref<40x125xi32, #tpu.memory_space<vmem>> -> memref<1x125xi32, #tpu.memory_space<vmem>>
    %dma_start3A_95 = tpu.memref_squeeze %dma_start3A_94 : memref<1x125xi32, #tpu.memory_space<vmem>> -> memref<125xi32, #tpu.memory_space<vmem>>
    %dma_start3A_96 = arith.constant 0 : i32
    %dma_start3A_97 = arith.constant 0 : i32
    %dma_start3A_98 = tpu.memref_slice %arg2[%dma_start3A_96, %dma_start3A_97] : memref<10000x128xf32, #tpu.memory_space<hbm>> -> memref<10000x128xf32, #tpu.memory_space<hbm>>
    tpu.enqueue_indirect_dma source(%dma_start3A_98 : memref<10000x128xf32, #tpu.memory_space<hbm>>) target(%dma_start3A_92 : memref<125x128xf32, #tpu.memory_space<vmem>>) offsets(%dma_start3A_95 : memref<125xi32, #tpu.memory_space<vmem>>) semaphore(%arg12 : memref<!tpu.dma_semaphore, #tpu.memory_space<semaphore_mem>>)
    %scan3A_99 = arith.constant 0 : i32
    %scan3A_100 = arith.constant 0 : i32
    %scan3A_101 = arith.constant 20 : i32
    %scan3A_102 = arith.addi %scan3A_100, %scan3A_101 : i32
    %scan3A_103 = arith.constant 1 : i32
    scf.for %scan3A_130 = %scan3A_100 to %scan3A_102 step %scan3A_103  : i32 {
      %mul3A_131 = arith.constant 2 : i32
      %mul3A_132 = arith.muli %mul3A_131, %scan3A_130 : i32
      %add3A_133 = arith.constant 1 : i32
      %add3A_134 = arith.addi %mul3A_132, %add3A_133 : i32
      %dma_wait3A_135 = arith.constant 0 : i32
      %dma_wait3A_136 = arith.constant 0 : i32
      %dma_wait3A_137 = tpu.memref_slice %arg8[%dma_wait3A_135, %dma_wait3A_136] : memref<128x128xf32, #tpu.memory_space<vmem>> -> memref<125x128xf32, #tpu.memory_space<vmem>>
      %dma_wait3A_138 = arith.constant 0 : i32
      %dma_wait3A_139 = tpu.memref_slice %arg6[%mul3A_132, %dma_wait3A_138] : memref<40x125xi32, #tpu.memory_space<vmem>> -> memref<1x125xi32, #tpu.memory_space<vmem>>
      %dma_wait3A_140 = tpu.memref_squeeze %dma_wait3A_139 : memref<1x125xi32, #tpu.memory_space<vmem>> -> memref<125xi32, #tpu.memory_space<vmem>>
      %dma_wait3A_141 = arith.constant 0 : i32
      %dma_wait3A_142 = arith.constant 0 : i32
      %dma_wait3A_143 = tpu.memref_slice %arg2[%dma_wait3A_141, %dma_wait3A_142] : memref<10000x128xf32, #tpu.memory_space<hbm>> -> memref<10000x128xf32, #tpu.memory_space<hbm>>
      tpu.wait_indirect_dma semaphore(%arg11 : memref<!tpu.dma_semaphore, #tpu.memory_space<semaphore_mem>>) src(%dma_wait3A_143 : memref<10000x128xf32, #tpu.memory_space<hbm>>) dst(%dma_wait3A_137 : memref<125x128xf32, #tpu.memory_space<vmem>>)
      %dma_start3A_144 = arith.constant 0 : i32
      %dma_start3A_145 = arith.constant 0 : i32
      %dma_start3A_146 = tpu.memref_slice %arg8[%dma_start3A_144, %dma_start3A_145] : memref<128x128xf32, #tpu.memory_space<vmem>> -> memref<125x128xf32, #tpu.memory_space<vmem>>
      %dma_start3A_147 = arith.constant 0 : i32
      %dma_start3A_148 = tpu.memref_slice %arg7[%mul3A_132, %dma_start3A_147] : memref<40x125xi32, #tpu.memory_space<vmem>> -> memref<1x125xi32, #tpu.memory_space<vmem>>
      %dma_start3A_149 = tpu.memref_squeeze %dma_start3A_148 : memref<1x125xi32, #tpu.memory_space<vmem>> -> memref<125xi32, #tpu.memory_space<vmem>>
      %dma_start3A_150 = arith.constant 0 : i32
      %dma_start3A_151 = arith.constant 0 : i32
      %dma_start3A_152 = tpu.memref_slice %arg10[%dma_start3A_150, %dma_start3A_151] : memref<10240x128xf32, #tpu.memory_space<vmem_shared>> -> memref<10240x128xf32, #tpu.memory_space<vmem_shared>>
      tpu.enqueue_indirect_dma source(%dma_start3A_146 : memref<125x128xf32, #tpu.memory_space<vmem>>) target(%dma_start3A_152 : memref<10240x128xf32, #tpu.memory_space<vmem_shared>>) offsets(%dma_start3A_149 : memref<125xi32, #tpu.memory_space<vmem>>) semaphore(%arg13 : memref<!tpu.dma_semaphore, #tpu.memory_space<semaphore_mem>>) {add = true}
      %dma_wait3A_153 = arith.constant 0 : i32
      %dma_wait3A_154 = arith.constant 0 : i32
      %dma_wait3A_155 = tpu.memref_slice %arg9[%dma_wait3A_153, %dma_wait3A_154] : memref<128x128xf32, #tpu.memory_space<vmem>> -> memref<125x128xf32, #tpu.memory_space<vmem>>
      %dma_wait3A_156 = arith.constant 0 : i32
      %dma_wait3A_157 = tpu.memref_slice %arg6[%add3A_134, %dma_wait3A_156] : memref<40x125xi32, #tpu.memory_space<vmem>> -> memref<1x125xi32, #tpu.memory_space<vmem>>
      %dma_wait3A_158 = tpu.memref_squeeze %dma_wait3A_157 : memref<1x125xi32, #tpu.memory_space<vmem>> -> memref<125xi32, #tpu.memory_space<vmem>>
      %dma_wait3A_159 = arith.constant 0 : i32
      %dma_wait3A_160 = arith.constant 0 : i32
      %dma_wait3A_161 = tpu.memref_slice %arg2[%dma_wait3A_159, %dma_wait3A_160] : memref<10000x128xf32, #tpu.memory_space<hbm>> -> memref<10000x128xf32, #tpu.memory_space<hbm>>
      tpu.wait_indirect_dma semaphore(%arg12 : memref<!tpu.dma_semaphore, #tpu.memory_space<semaphore_mem>>) src(%dma_wait3A_161 : memref<10000x128xf32, #tpu.memory_space<hbm>>) dst(%dma_wait3A_155 : memref<125x128xf32, #tpu.memory_space<vmem>>)
      %dma_start3A_162 = arith.constant 0 : i32
      %dma_start3A_163 = arith.constant 0 : i32
      %dma_start3A_164 = tpu.memref_slice %arg9[%dma_start3A_162, %dma_start3A_163] : memref<128x128xf32, #tpu.memory_space<vmem>> -> memref<125x128xf32, #tpu.memory_space<vmem>>
      %dma_start3A_165 = arith.constant 0 : i32
      %dma_start3A_166 = tpu.memref_slice %arg7[%add3A_134, %dma_start3A_165] : memref<40x125xi32, #tpu.memory_space<vmem>> -> memref<1x125xi32, #tpu.memory_space<vmem>>
      %dma_start3A_167 = tpu.memref_squeeze %dma_start3A_166 : memref<1x125xi32, #tpu.memory_space<vmem>> -> memref<125xi32, #tpu.memory_space<vmem>>
      %dma_start3A_168 = arith.constant 0 : i32
      %dma_start3A_169 = arith.constant 0 : i32
      %dma_start3A_170 = tpu.memref_slice %arg10[%dma_start3A_168, %dma_start3A_169] : memref<10240x128xf32, #tpu.memory_space<vmem_shared>> -> memref<10240x128xf32, #tpu.memory_space<vmem_shared>>
      tpu.enqueue_indirect_dma source(%dma_start3A_164 : memref<125x128xf32, #tpu.memory_space<vmem>>) target(%dma_start3A_170 : memref<10240x128xf32, #tpu.memory_space<vmem_shared>>) offsets(%dma_start3A_167 : memref<125xi32, #tpu.memory_space<vmem>>) semaphore(%arg14 : memref<!tpu.dma_semaphore, #tpu.memory_space<semaphore_mem>>) {add = true}
      %add3A_171 = arith.constant 2 : i32
      %add3A_172 = arith.addi %mul3A_132, %add3A_171 : i32
      %min3A = arith.constant 38 : i32
      %min3A_173 = arith.minsi %add3A_172, %min3A : i32
      %add3A_174 = arith.constant 2 : i32
      %add3A_175 = arith.addi %add3A_134, %add3A_174 : i32
      %min3A_176 = arith.constant 39 : i32
      %min3A_177 = arith.minsi %add3A_175, %min3A_176 : i32
      %dma_wait3A_178 = arith.constant 0 : i32
      %dma_wait3A_179 = arith.constant 0 : i32
      %dma_wait3A_180 = tpu.memref_slice %arg8[%dma_wait3A_178, %dma_wait3A_179] : memref<128x128xf32, #tpu.memory_space<vmem>> -> memref<125x128xf32, #tpu.memory_space<vmem>>
      %dma_wait3A_181 = arith.constant 0 : i32
      %dma_wait3A_182 = tpu.memref_slice %arg7[%mul3A_132, %dma_wait3A_181] : memref<40x125xi32, #tpu.memory_space<vmem>> -> memref<1x125xi32, #tpu.memory_space<vmem>>
      %dma_wait3A_183 = tpu.memref_squeeze %dma_wait3A_182 : memref<1x125xi32, #tpu.memory_space<vmem>> -> memref<125xi32, #tpu.memory_space<vmem>>
      %dma_wait3A_184 = arith.constant 0 : i32
      %dma_wait3A_185 = arith.constant 0 : i32
      %dma_wait3A_186 = tpu.memref_slice %arg10[%dma_wait3A_184, %dma_wait3A_185] : memref<10240x128xf32, #tpu.memory_space<vmem_shared>> -> memref<10240x128xf32, #tpu.memory_space<vmem_shared>>
      tpu.wait_indirect_dma semaphore(%arg13 : memref<!tpu.dma_semaphore, #tpu.memory_space<semaphore_mem>>) src(%dma_wait3A_180 : memref<125x128xf32, #tpu.memory_space<vmem>>) dst(%dma_wait3A_186 : memref<10240x128xf32, #tpu.memory_space<vmem_shared>>)
      %dma_start3A_187 = arith.constant 0 : i32
      %dma_start3A_188 = arith.constant 0 : i32
      %dma_start3A_189 = tpu.memref_slice %arg8[%dma_start3A_187, %dma_start3A_188] : memref<128x128xf32, #tpu.memory_space<vmem>> -> memref<125x128xf32, #tpu.memory_space<vmem>>
      %dma_start3A_190 = arith.constant 0 : i32
      %dma_start3A_191 = tpu.memref_slice %arg6[%min3A_173, %dma_start3A_190] : memref<40x125xi32, #tpu.memory_space<vmem>> -> memref<1x125xi32, #tpu.memory_space<vmem>>
      %dma_start3A_192 = tpu.memref_squeeze %dma_start3A_191 : memref<1x125xi32, #tpu.memory_space<vmem>> -> memref<125xi32, #tpu.memory_space<vmem>>
      %dma_start3A_193 = arith.constant 0 : i32
      %dma_start3A_194 = arith.constant 0 : i32
      %dma_start3A_195 = tpu.memref_slice %arg2[%dma_start3A_193, %dma_start3A_194] : memref<10000x128xf32, #tpu.memory_space<hbm>> -> memref<10000x128xf32, #tpu.memory_space<hbm>>
      tpu.enqueue_indirect_dma source(%dma_start3A_195 : memref<10000x128xf32, #tpu.memory_space<hbm>>) target(%dma_start3A_189 : memref<125x128xf32, #tpu.memory_space<vmem>>) offsets(%dma_start3A_192 : memref<125xi32, #tpu.memory_space<vmem>>) semaphore(%arg11 : memref<!tpu.dma_semaphore, #tpu.memory_space<semaphore_mem>>)
      %dma_wait3A_196 = arith.constant 0 : i32
      %dma_wait3A_197 = arith.constant 0 : i32
      %dma_wait3A_198 = tpu.memref_slice %arg9[%dma_wait3A_196, %dma_wait3A_197] : memref<128x128xf32, #tpu.memory_space<vmem>> -> memref<125x128xf32, #tpu.memory_space<vmem>>
      %dma_wait3A_199 = arith.constant 0 : i32
      %dma_wait3A_200 = tpu.memref_slice %arg7[%add3A_134, %dma_wait3A_199] : memref<40x125xi32, #tpu.memory_space<vmem>> -> memref<1x125xi32, #tpu.memory_space<vmem>>
      %dma_wait3A_201 = tpu.memref_squeeze %dma_wait3A_200 : memref<1x125xi32, #tpu.memory_space<vmem>> -> memref<125xi32, #tpu.memory_space<vmem>>
      %dma_wait3A_202 = arith.constant 0 : i32
      %dma_wait3A_203 = arith.constant 0 : i32
      %dma_wait3A_204 = tpu.memref_slice %arg10[%dma_wait3A_202, %dma_wait3A_203] : memref<10240x128xf32, #tpu.memory_space<vmem_shared>> -> memref<10240x128xf32, #tpu.memory_space<vmem_shared>>
      tpu.wait_indirect_dma semaphore(%arg14 : memref<!tpu.dma_semaphore, #tpu.memory_space<semaphore_mem>>) src(%dma_wait3A_198 : memref<125x128xf32, #tpu.memory_space<vmem>>) dst(%dma_wait3A_204 : memref<10240x128xf32, #tpu.memory_space<vmem_shared>>)
      %dma_start3A_205 = arith.constant 0 : i32
      %dma_start3A_206 = arith.constant 0 : i32
      %dma_start3A_207 = tpu.memref_slice %arg9[%dma_start3A_205, %dma_start3A_206] : memref<128x128xf32, #tpu.memory_space<vmem>> -> memref<125x128xf32, #tpu.memory_space<vmem>>
      %dma_start3A_208 = arith.constant 0 : i32
      %dma_start3A_209 = tpu.memref_slice %arg6[%min3A_177, %dma_start3A_208] : memref<40x125xi32, #tpu.memory_space<vmem>> -> memref<1x125xi32, #tpu.memory_space<vmem>>
      %dma_start3A_210 = tpu.memref_squeeze %dma_start3A_209 : memref<1x125xi32, #tpu.memory_space<vmem>> -> memref<125xi32, #tpu.memory_space<vmem>>
      %dma_start3A_211 = arith.constant 0 : i32
      %dma_start3A_212 = arith.constant 0 : i32
      %dma_start3A_213 = tpu.memref_slice %arg2[%dma_start3A_211, %dma_start3A_212] : memref<10000x128xf32, #tpu.memory_space<hbm>> -> memref<10000x128xf32, #tpu.memory_space<hbm>>
      tpu.enqueue_indirect_dma source(%dma_start3A_213 : memref<10000x128xf32, #tpu.memory_space<hbm>>) target(%dma_start3A_207 : memref<125x128xf32, #tpu.memory_space<vmem>>) offsets(%dma_start3A_210 : memref<125xi32, #tpu.memory_space<vmem>>) semaphore(%arg12 : memref<!tpu.dma_semaphore, #tpu.memory_space<semaphore_mem>>)
    }
    %scan3A_104 = arith.constant 20 : i32
    %dma_wait3A_105 = arith.constant 0 : i32
    %dma_wait3A_106 = arith.constant 0 : i32
    %dma_wait3A_107 = arith.constant 0 : i32
    %dma_wait3A_108 = tpu.memref_slice %arg8[%dma_wait3A_106, %dma_wait3A_107] : memref<128x128xf32, #tpu.memory_space<vmem>> -> memref<125x128xf32, #tpu.memory_space<vmem>>
    %dma_wait3A_109 = arith.constant 0 : i32
    %dma_wait3A_110 = tpu.memref_slice %arg6[%dma_wait3A_105, %dma_wait3A_109] : memref<40x125xi32, #tpu.memory_space<vmem>> -> memref<1x125xi32, #tpu.memory_space<vmem>>
    %dma_wait3A_111 = tpu.memref_squeeze %dma_wait3A_110 : memref<1x125xi32, #tpu.memory_space<vmem>> -> memref<125xi32, #tpu.memory_space<vmem>>
    %dma_wait3A_112 = arith.constant 0 : i32
    %dma_wait3A_113 = arith.constant 0 : i32
    %dma_wait3A_114 = tpu.memref_slice %arg2[%dma_wait3A_112, %dma_wait3A_113] : memref<10000x128xf32, #tpu.memory_space<hbm>> -> memref<10000x128xf32, #tpu.memory_space<hbm>>
    tpu.wait_indirect_dma semaphore(%arg11 : memref<!tpu.dma_semaphore, #tpu.memory_space<semaphore_mem>>) src(%dma_wait3A_114 : memref<10000x128xf32, #tpu.memory_space<hbm>>) dst(%dma_wait3A_108 : memref<125x128xf32, #tpu.memory_space<vmem>>)
    %dma_wait3A_115 = arith.constant 1 : i32
    %dma_wait3A_116 = arith.constant 0 : i32
    %dma_wait3A_117 = arith.constant 0 : i32
    %dma_wait3A_118 = tpu.memref_slice %arg9[%dma_wait3A_116, %dma_wait3A_117] : memref<128x128xf32, #tpu.memory_space<vmem>> -> memref<125x128xf32, #tpu.memory_space<vmem>>
    %dma_wait3A_119 = arith.constant 0 : i32
    %dma_wait3A_120 = tpu.memref_slice %arg6[%dma_wait3A_115, %dma_wait3A_119] : memref<40x125xi32, #tpu.memory_space<vmem>> -> memref<1x125xi32, #tpu.memory_space<vmem>>
    %dma_wait3A_121 = tpu.memref_squeeze %dma_wait3A_120 : memref<1x125xi32, #tpu.memory_space<vmem>> -> memref<125xi32, #tpu.memory_space<vmem>>
    %dma_wait3A_122 = arith.constant 0 : i32
    %dma_wait3A_123 = arith.constant 0 : i32
    %dma_wait3A_124 = tpu.memref_slice %arg2[%dma_wait3A_122, %dma_wait3A_123] : memref<10000x128xf32, #tpu.memory_space<hbm>> -> memref<10000x128xf32, #tpu.memory_space<hbm>>
    tpu.wait_indirect_dma semaphore(%arg12 : memref<!tpu.dma_semaphore, #tpu.memory_space<semaphore_mem>>) src(%dma_wait3A_124 : memref<10000x128xf32, #tpu.memory_space<hbm>>) dst(%dma_wait3A_118 : memref<125x128xf32, #tpu.memory_space<vmem>>)
    %barrier3A_125 = arith.constant 0 : index
    tpu.barrier barrier_id(%barrier3A_125)
    %mul3A_126 = arith.constant 640 : i32
    %mul3A_127 = arith.muli %arg1, %mul3A_126 : i32
    %mul3A_128 = arith.constant 640 : i32
    %mul3A_129 = arith.muli %arg1, %mul3A_128 : i32
    "tpu.region"() ({
      %run_scoped3A = tpu.sem_alloc : memref<!tpu.dma_semaphore, #tpu.memory_space<semaphore_mem>>
      %dma_start3A_130 = arith.constant 0 : i32
      %dma_start3A_131 = tpu.memref_slice %arg5[%arg0, %mul3A_129, %dma_start3A_130] : memref<2x10240x128xf32, #tpu.memory_space<hbm>> -> memref<1x640x128xf32, #tpu.memory_space<hbm>>
      %dma_start3A_132 = tpu.memref_squeeze %dma_start3A_131 : memref<1x640x128xf32, #tpu.memory_space<hbm>> -> memref<640x128xf32, #tpu.memory_space<hbm>>
      %dma_start3A_133 = arith.constant 0 : i32
      %dma_start3A_134 = tpu.memref_slice %arg10[%mul3A_127, %dma_start3A_133] : memref<10240x128xf32, #tpu.memory_space<vmem_shared>> -> memref<640x128xf32, #tpu.memory_space<vmem_shared>>
      tpu.enqueue_dma source(%dma_start3A_134 : memref<640x128xf32, #tpu.memory_space<vmem_shared>>) target(%dma_start3A_132 : memref<640x128xf32, #tpu.memory_space<hbm>>) target_semaphore(%run_scoped3A : memref<!tpu.dma_semaphore, #tpu.memory_space<semaphore_mem>>)
      %dma_wait3A_135 = arith.constant 0 : i32
      %dma_wait3A_136 = tpu.memref_slice %arg5[%arg0, %mul3A_129, %dma_wait3A_135] : memref<2x10240x128xf32, #tpu.memory_space<hbm>> -> memref<1x640x128xf32, #tpu.memory_space<hbm>>
      %dma_wait3A_137 = tpu.memref_squeeze %dma_wait3A_136 : memref<1x640x128xf32, #tpu.memory_space<hbm>> -> memref<640x128xf32, #tpu.memory_space<hbm>>
      %dma_wait3A_138 = arith.constant 0 : i32
      %dma_wait3A_139 = tpu.memref_slice %arg10[%mul3A_127, %dma_wait3A_138] : memref<10240x128xf32, #tpu.memory_space<vmem_shared>> -> memref<640x128xf32, #tpu.memory_space<vmem_shared>>
      tpu.wait_dma2 semaphore(%run_scoped3A : memref<!tpu.dma_semaphore, #tpu.memory_space<semaphore_mem>>) src(%dma_wait3A_139 : memref<640x128xf32, #tpu.memory_space<vmem_shared>>) dst(%dma_wait3A_137 : memref<640x128xf32, #tpu.memory_space<hbm>>)
      tpu.yield
    }) : () -> ()
    return
  }
}

module attributes {stable_mosaic.version = 14 : i64} {
  func.func @_hist_scale_body(%arg0: i32, %arg1: memref<2000x1xi32, #tpu.memory_space<vmem>>, %arg2: memref<10000x128xf32, #tpu.memory_space<vmem>>, %arg3: memref<128x128xf32, #tpu.memory_space<vmem>>, %arg4: memref<10000x128xf32, #tpu.memory_space<vmem>>, %arg5: memref<10000x128xf32, #tpu.memory_space<vmem>>, %arg6: memref<128x128xf32, #tpu.memory_space<vmem>>) attributes {dimension_semantics = [#tpu.dimension_semantics<arbitrary>], iteration_bounds = array<i64: 161>, scalar_prefetch = 0 : i64, scratch_operands = 1 : i64, tpu.core_type = #tpu.core_type<tc>, window_params = [{transform_indices = @transform_0, window_bounds = array<i64: 2000, 1>}, {pipeline_mode = #tpu.pipeline_mode<synchronous>, transform_indices = @transform_1, window_bounds = array<i64: 10000, 128>}, {pipeline_mode = #tpu.pipeline_mode<synchronous>, transform_indices = @transform_2, window_bounds = array<i64: 128, 128>}, {pipeline_mode = #tpu.pipeline_mode<synchronous>, transform_indices = @transform_3, window_bounds = array<i64: 10000, 128>}, {pipeline_mode = #tpu.pipeline_mode<synchronous>, transform_indices = @transform_4, window_bounds = array<i64: 10000, 128>}]} {
    %iota3A = tpu.iota {dimensions = array<i32: 1>} : vector<1x128xi32>
    %eq3A = arith.constant 0 : i32
    %eq3A_0 = arith.cmpi eq, %arg0, %eq3A : i32
    %convert_element_type3A = arith.extui %eq3A_0 : i1 to i32
    %cond3A = arith.constant 0 : i32
    %cond3A_1 = arith.cmpi ne, %convert_element_type3A, %cond3A : i32
    scf.if %cond3A_1 {
      %broadcast_in_dim3A = arith.constant 0.000000e+00 : f32
      %broadcast_in_dim3A_11 = vector.broadcast %broadcast_in_dim3A : f32 to vector<128x128xf32>
      %swap3A = arith.constant 0 : index
      %swap3A_12 = arith.constant 0 : index
      %swap3A_13 = vector.load %arg6[%swap3A, %swap3A_12] : memref<128x128xf32, #tpu.memory_space<vmem>>, vector<128x128xf32>
      tpu.vector_store %arg6[%swap3A, %swap3A_12], %broadcast_in_dim3A_11 {strides = array<i32>} : memref<128x128xf32, #tpu.memory_space<vmem>>, vector<128x128xf32>,
    } else {
    }
    %lt3A = arith.constant 160 : i32
    %lt3A_2 = arith.cmpi slt, %arg0, %lt3A : i32
    %convert_element_type3A_3 = arith.extui %lt3A_2 : i1 to i32
    %cond3A_4 = arith.constant 0 : i32
    %cond3A_5 = arith.cmpi ne, %convert_element_type3A_3, %cond3A_4 : i32
    scf.if %cond3A_5 {
      %get3A = arith.constant 0 : index
      %get3A_11 = arith.constant 0 : index
      %get3A_12 = vector.load %arg1[%get3A, %get3A_11] : memref<2000x1xi32, #tpu.memory_space<vmem>>, vector<2000x1xi32>
      %shift_right_arithmetic3A = arith.constant 7 : i32
      %shift_right_arithmetic3A_13 = vector.broadcast %shift_right_arithmetic3A : i32 to vector<2000x1xi32>
      %shift_right_arithmetic3A_14 = arith.shrsi %get3A_12, %shift_right_arithmetic3A_13 : vector<2000x1xi32>
      %eq3A_15 = vector.broadcast %shift_right_arithmetic3A_14 : vector<2000x1xi32> to vector<2000x128xi32>
      %eq3A_16 = vector.broadcast %iota3A : vector<1x128xi32> to vector<2000x128xi32>
      %eq3A_17 = arith.cmpi eq, %eq3A_15, %eq3A_16 : vector<2000x128xi32>
      %convert_element_type3A_18 = arith.extui %eq3A_17 : vector<2000x128xi1> to vector<2000x128xi32>
      %convert_element_type3A_19 = arith.sitofp %convert_element_type3A_18 : vector<2000x128xi32> to vector<2000x128xf32>
      %and3A = arith.constant 127 : i32
      %and3A_20 = vector.broadcast %and3A : i32 to vector<2000x1xi32>
      %and3A_21 = arith.andi %get3A_12, %and3A_20 : vector<2000x1xi32>
      %eq3A_22 = vector.broadcast %and3A_21 : vector<2000x1xi32> to vector<2000x128xi32>
      %eq3A_23 = vector.broadcast %iota3A : vector<1x128xi32> to vector<2000x128xi32>
      %eq3A_24 = arith.cmpi eq, %eq3A_22, %eq3A_23 : vector<2000x128xi32>
      %convert_element_type3A_25 = arith.extui %eq3A_24 : vector<2000x128xi1> to vector<2000x128xi32>
      %convert_element_type3A_26 = arith.sitofp %convert_element_type3A_25 : vector<2000x128xi32> to vector<2000x128xf32>
      %get3A_27 = arith.constant 0 : index
      %get3A_28 = arith.constant 0 : index
      %get3A_29 = vector.load %arg6[%get3A_27, %get3A_28] : memref<128x128xf32, #tpu.memory_space<vmem>>, vector<128x128xf32>
      %dot_general3A = arith.constant dense<0.000000e+00> : vector<128x128xf32>
      %dot_general3A_30 = tpu.matmul %convert_element_type3A_19, %convert_element_type3A_26, %dot_general3A {dimension_numbers = #tpu.dot_dimension_numbers<[0], [0], [1], [1], [0, 1, 1, 1], [], []>, transpose_lhs_hint = false} : vector<2000x128xf32>, vector<2000x128xf32>, vector<128x128xf32> -> vector<128x128xf32>
      %add3A = arith.addf %get3A_29, %dot_general3A_30 : vector<128x128xf32>
      %swap3A = arith.constant 0 : index
      %swap3A_31 = arith.constant 0 : index
      %swap3A_32 = vector.load %arg6[%swap3A, %swap3A_31] : memref<128x128xf32, #tpu.memory_space<vmem>>, vector<128x128xf32>
      tpu.vector_store %arg6[%swap3A, %swap3A_31], %add3A {strides = array<i32>} : memref<128x128xf32, #tpu.memory_space<vmem>>, vector<128x128xf32>,
    } else {
    }
    %eq3A_6 = arith.constant 160 : i32
    %eq3A_7 = arith.cmpi eq, %arg0, %eq3A_6 : i32
    %convert_element_type3A_8 = arith.extui %eq3A_7 : i1 to i32
    %cond3A_9 = arith.constant 0 : i32
    %cond3A_10 = arith.cmpi ne, %convert_element_type3A_8, %cond3A_9 : i32
    scf.if %cond3A_10 {
      %iota3A_11 = tpu.iota {dimensions = array<i32: 0>} : vector<10000x128xi32>
      %shift_right_arithmetic3A = arith.constant 7 : i32
      %shift_right_arithmetic3A_12 = vector.broadcast %shift_right_arithmetic3A : i32 to vector<10000x128xi32>
      %shift_right_arithmetic3A_13 = arith.shrsi %iota3A_11, %shift_right_arithmetic3A_12 : vector<10000x128xi32>
      %eq3A_14 = vector.broadcast %iota3A : vector<1x128xi32> to vector<10000x128xi32>
      %eq3A_15 = arith.cmpi eq, %shift_right_arithmetic3A_13, %eq3A_14 : vector<10000x128xi32>
      %convert_element_type3A_16 = arith.extui %eq3A_15 : vector<10000x128xi1> to vector<10000x128xi32>
      %convert_element_type3A_17 = arith.sitofp %convert_element_type3A_16 : vector<10000x128xi32> to vector<10000x128xf32>
      %and3A = arith.constant 127 : i32
      %and3A_18 = vector.broadcast %and3A : i32 to vector<10000x128xi32>
      %and3A_19 = arith.andi %iota3A_11, %and3A_18 : vector<10000x128xi32>
      %eq3A_20 = vector.broadcast %iota3A : vector<1x128xi32> to vector<10000x128xi32>
      %eq3A_21 = arith.cmpi eq, %and3A_19, %eq3A_20 : vector<10000x128xi32>
      %convert_element_type3A_22 = arith.extui %eq3A_21 : vector<10000x128xi1> to vector<10000x128xi32>
      %convert_element_type3A_23 = arith.sitofp %convert_element_type3A_22 : vector<10000x128xi32> to vector<10000x128xf32>
      %get3A = arith.constant 0 : index
      %get3A_24 = arith.constant 0 : index
      %get3A_25 = vector.load %arg6[%get3A, %get3A_24] : memref<128x128xf32, #tpu.memory_space<vmem>>, vector<128x128xf32>
      %dot_general3A = arith.constant dense<0.000000e+00> : vector<10000x128xf32>
      %dot_general3A_26 = tpu.matmul %convert_element_type3A_17, %get3A_25, %dot_general3A {dimension_numbers = #tpu.dot_dimension_numbers<[1], [0], [0], [1], [0, 0, 1, 1], [], []>, transpose_lhs_hint = false} : vector<10000x128xf32>, vector<128x128xf32>, vector<10000x128xf32> -> vector<10000x128xf32>
      %mul3A = arith.mulf %dot_general3A_26, %convert_element_type3A_23 : vector<10000x128xf32>
      %broadcast_in_dim3A = arith.constant 1.000000e+00 : f32
      %broadcast_in_dim3A_27 = vector.broadcast %broadcast_in_dim3A : f32 to vector<128x128xf32>
      %dot_general3A_28 = arith.constant dense<0.000000e+00> : vector<10000x128xf32>
      %dot_general3A_29 = tpu.matmul %mul3A, %broadcast_in_dim3A_27, %dot_general3A_28 {dimension_numbers = #tpu.dot_dimension_numbers<[1], [0], [0], [1], [0, 0, 1, 1], [], []>, transpose_lhs_hint = false} : vector<10000x128xf32>, vector<128x128xf32>, vector<10000x128xf32> -> vector<10000x128xf32>
      %add3A = arith.constant 1.000000e+00 : f32
      %add3A_30 = vector.broadcast %add3A : f32 to vector<10000x128xf32>
      %add3A_31 = arith.addf %dot_general3A_29, %add3A_30 : vector<10000x128xf32>
      %rsqrt3A = math.rsqrt %add3A_31 : vector<10000x128xf32>
      %get3A_32 = arith.constant 0 : index
      %get3A_33 = arith.constant 0 : index
      %get3A_34 = vector.load %arg2[%get3A_32, %get3A_33] : memref<10000x128xf32, #tpu.memory_space<vmem>>, vector<10000x128xf32>
      %get3A_35 = arith.constant 0 : index
      %get3A_36 = arith.constant 0 : index
      %get3A_37 = vector.load %arg3[%get3A_35, %get3A_36] : memref<128x128xf32, #tpu.memory_space<vmem>>, vector<128x128xf32>
      %dot_general3A_38 = arith.constant dense<0.000000e+00> : vector<10000x128xf32>
      %dot_general3A_39 = tpu.matmul %get3A_34, %get3A_37, %dot_general3A_38 {dimension_numbers = #tpu.dot_dimension_numbers<[1], [0], [0], [1], [0, 0, 1, 1], [], []>, transpose_lhs_hint = false} : vector<10000x128xf32>, vector<128x128xf32>, vector<10000x128xf32> -> vector<10000x128xf32>
      %mul3A_40 = arith.mulf %dot_general3A_39, %rsqrt3A : vector<10000x128xf32>
      %swap3A = arith.constant 0 : index
      %swap3A_41 = arith.constant 0 : index
      %swap3A_42 = vector.load %arg4[%swap3A, %swap3A_41] : memref<10000x128xf32, #tpu.memory_space<vmem>>, vector<10000x128xf32>
      tpu.vector_store %arg4[%swap3A, %swap3A_41], %mul3A_40 {strides = array<i32>} : memref<10000x128xf32, #tpu.memory_space<vmem>>, vector<10000x128xf32>,
      %swap3A_43 = arith.constant 0 : index
      %swap3A_44 = arith.constant 0 : index
      %swap3A_45 = vector.load %arg5[%swap3A_43, %swap3A_44] : memref<10000x128xf32, #tpu.memory_space<vmem>>, vector<10000x128xf32>
      tpu.vector_store %arg5[%swap3A_43, %swap3A_44], %rsqrt3A {strides = array<i32>} : memref<10000x128xf32, #tpu.memory_space<vmem>>, vector<10000x128xf32>,
    } else {
    }
    return
  }
  func.func @transform_0(%arg0: i32) -> (i32, i32) {
    %min3A = arith.constant 159 : i32
    %min3A_0 = arith.minsi %arg0, %min3A : i32
    %c0_i32 = arith.constant 0 : i32
    %c0_i32_1 = arith.constant 0 : i32
    return %min3A_0, %c0_i32 : i32, i32
  }
  func.func @transform_1(%arg0: i32) -> (i32, i32) {
    %c0_i32 = arith.constant 0 : i32
    %c0_i32_0 = arith.constant 0 : i32
    %c0_i32_1 = arith.constant 0 : i32
    return %c0_i32, %c0_i32_0 : i32, i32
  }
  func.func @transform_2(%arg0: i32) -> (i32, i32) {
    %c0_i32 = arith.constant 0 : i32
    %c0_i32_0 = arith.constant 0 : i32
    %c0_i32_1 = arith.constant 0 : i32
    return %c0_i32, %c0_i32_0 : i32, i32
  }
  func.func @transform_3(%arg0: i32) -> (i32, i32) {
    %c0_i32 = arith.constant 0 : i32
    %c0_i32_0 = arith.constant 0 : i32
    %c0_i32_1 = arith.constant 0 : i32
    return %c0_i32, %c0_i32_0 : i32, i32
  }
  func.func @transform_4(%arg0: i32) -> (i32, i32) {
    %c0_i32 = arith.constant 0 : i32
    %c0_i32_0 = arith.constant 0 : i32
    %c0_i32_1 = arith.constant 0 : i32
    return %c0_i32, %c0_i32_0 : i32, i32
  }
}

module attributes {stable_mosaic.version = 14 : i64} {
  func.func @_head_body(%arg0: memref<2x10240x128xf32, #tpu.memory_space<vmem>>, %arg1: memref<10000x128xf32, #tpu.memory_space<vmem>>, %arg2: memref<10000x128xf32, #tpu.memory_space<vmem>>, %arg3: memref<10000x1xi32, #tpu.memory_space<vmem>>, %arg4: memref<1x128xf32, #tpu.memory_space<vmem>>, %arg5: memref<1x128xf32, #tpu.memory_space<vmem>>, %arg6: memref<1x128xf32, #tpu.memory_space<vmem>>, %arg7: memref<2x128xf32, #tpu.memory_space<vmem>>, %arg8: memref<1x2xf32, #tpu.memory_space<vmem>>, %arg9: memref<1x2xf32, #tpu.memory_space<vmem>>, %arg10: memref<1x2xf32, #tpu.memory_space<vmem>>, %arg11: memref<512x2xf32, #tpu.memory_space<vmem>>) attributes {dimension_semantics = [], scalar_prefetch = 0 : i64, scratch_operands = 0 : i64, tpu.core_type = #tpu.core_type<tc>} {
    %get3A = arith.constant 0 : index
    %get3A_0 = arith.constant 0 : index
    %get3A_1 = arith.constant 0 : index
    %get3A_2 = vector.load %arg0[%get3A, %get3A_0, %get3A_1] : memref<2x10240x128xf32, #tpu.memory_space<vmem>>, vector<1x10000x128xf32>
    %get3A_3 = vector.shape_cast %get3A_2 : vector<1x10000x128xf32> to vector<10000x128xf32>
    %get3A_4 = arith.constant 1 : index
    %get3A_5 = arith.constant 0 : index
    %get3A_6 = arith.constant 0 : index
    %get3A_7 = vector.load %arg0[%get3A_4, %get3A_5, %get3A_6] : memref<2x10240x128xf32, #tpu.memory_space<vmem>>, vector<1x10000x128xf32>
    %get3A_8 = vector.shape_cast %get3A_7 : vector<1x10000x128xf32> to vector<10000x128xf32>
    %add3A = arith.addf %get3A_3, %get3A_8 : vector<10000x128xf32>
    %get3A_9 = arith.constant 0 : index
    %get3A_10 = arith.constant 0 : index
    %get3A_11 = vector.load %arg1[%get3A_9, %get3A_10] : memref<10000x128xf32, #tpu.memory_space<vmem>>, vector<10000x128xf32>
    %add3A_12 = arith.addf %add3A, %get3A_11 : vector<10000x128xf32>
    %get3A_13 = arith.constant 0 : index
    %get3A_14 = arith.constant 0 : index
    %get3A_15 = vector.load %arg2[%get3A_13, %get3A_14] : memref<10000x128xf32, #tpu.memory_space<vmem>>, vector<10000x128xf32>
    %mul3A = arith.mulf %add3A_12, %get3A_15 : vector<10000x128xf32>
    %get3A_16 = arith.constant 0 : index
    %get3A_17 = arith.constant 0 : index
    %get3A_18 = vector.load %arg4[%get3A_16, %get3A_17] : memref<1x128xf32, #tpu.memory_space<vmem>>, vector<1x128xf32>
    %add3A_19 = vector.broadcast %get3A_18 : vector<1x128xf32> to vector<10000x128xf32>
    %add3A_20 = arith.addf %mul3A, %add3A_19 : vector<10000x128xf32>
    %reduce_sum3A = arith.constant dense<0.000000e+00> : vector<128xf32>
    %reduce_sum3A_21 = vector.multi_reduction <add>, %add3A_20, %reduce_sum3A [0] : vector<10000x128xf32> to vector<128xf32>
    %broadcast_in_dim3A = vector.shape_cast %reduce_sum3A_21 : vector<128xf32> to vector<1x128xf32>
    %div3A = arith.constant 1.000000e+04 : f32
    %div3A_22 = vector.broadcast %div3A : f32 to vector<1x128xf32>
    %div3A_23 = arith.divf %broadcast_in_dim3A, %div3A_22 : vector<1x128xf32>
    %sub3A = vector.broadcast %div3A_23 : vector<1x128xf32> to vector<10000x128xf32>
    %sub3A_24 = arith.subf %add3A_20, %sub3A : vector<10000x128xf32>
    %integer_pow3A = arith.mulf %sub3A_24, %sub3A_24 : vector<10000x128xf32>
    %reduce_sum3A_25 = arith.constant dense<0.000000e+00> : vector<128xf32>
    %reduce_sum3A_26 = vector.multi_reduction <add>, %integer_pow3A, %reduce_sum3A_25 [0] : vector<10000x128xf32> to vector<128xf32>
    %broadcast_in_dim3A_27 = vector.shape_cast %reduce_sum3A_26 : vector<128xf32> to vector<1x128xf32>
    %div3A_28 = arith.constant 1.000000e+04 : f32
    %div3A_29 = vector.broadcast %div3A_28 : f32 to vector<1x128xf32>
    %div3A_30 = arith.divf %broadcast_in_dim3A_27, %div3A_29 : vector<1x128xf32>
    %sub3A_31 = vector.broadcast %div3A_23 : vector<1x128xf32> to vector<10000x128xf32>
    %sub3A_32 = arith.subf %add3A_20, %sub3A_31 : vector<10000x128xf32>
    %add3A_33 = arith.constant 9.99999974E-6 : f32
    %add3A_34 = vector.broadcast %add3A_33 : f32 to vector<1x128xf32>
    %add3A_35 = arith.addf %div3A_30, %add3A_34 : vector<1x128xf32>
    %rsqrt3A = math.rsqrt %add3A_35 : vector<1x128xf32>
    %mul3A_36 = vector.broadcast %rsqrt3A : vector<1x128xf32> to vector<10000x128xf32>
    %mul3A_37 = arith.mulf %sub3A_32, %mul3A_36 : vector<10000x128xf32>
    %get3A_38 = arith.constant 0 : index
    %get3A_39 = arith.constant 0 : index
    %get3A_40 = vector.load %arg5[%get3A_38, %get3A_39] : memref<1x128xf32, #tpu.memory_space<vmem>>, vector<1x128xf32>
    %mul3A_41 = vector.broadcast %get3A_40 : vector<1x128xf32> to vector<10000x128xf32>
    %mul3A_42 = arith.mulf %mul3A_37, %mul3A_41 : vector<10000x128xf32>
    %get3A_43 = arith.constant 0 : index
    %get3A_44 = arith.constant 0 : index
    %get3A_45 = vector.load %arg6[%get3A_43, %get3A_44] : memref<1x128xf32, #tpu.memory_space<vmem>>, vector<1x128xf32>
    %add3A_46 = vector.broadcast %get3A_45 : vector<1x128xf32> to vector<10000x128xf32>
    %add3A_47 = arith.addf %mul3A_42, %add3A_46 : vector<10000x128xf32>
    %max3A = arith.constant 0.000000e+00 : f32
    %max3A_48 = vector.broadcast %max3A : f32 to vector<10000x128xf32>
    %max3A_49 = arith.maximumf %add3A_47, %max3A_48 : vector<10000x128xf32>
    %iota3A = tpu.iota {dimensions = array<i32: 1>} : vector<1x512xi32>
    %broadcast_in_dim3A_50 = arith.constant 1.000000e+00 : f32
    %broadcast_in_dim3A_51 = vector.broadcast %broadcast_in_dim3A_50 : f32 to vector<1000x128xf32>
    %broadcast_in_dim3A_52 = arith.constant 0.000000e+00 : f32
    %broadcast_in_dim3A_53 = vector.broadcast %broadcast_in_dim3A_52 : f32 to vector<512x128xf32>
    %broadcast_in_dim3A_54 = arith.constant 0.000000e+00 : f32
    %broadcast_in_dim3A_55 = vector.broadcast %broadcast_in_dim3A_54 : f32 to vector<512x128xf32>
    %get3A_56 = arith.constant 0 : index
    %get3A_57 = arith.constant 0 : index
    %get3A_58 = vector.load %arg3[%get3A_56, %get3A_57] : memref<10000x1xi32, #tpu.memory_space<vmem>>, vector<1000x1xi32>
    %eq3A = vector.broadcast %get3A_58 : vector<1000x1xi32> to vector<1000x512xi32>
    %eq3A_59 = vector.broadcast %iota3A : vector<1x512xi32> to vector<1000x512xi32>
    %eq3A_60 = arith.cmpi eq, %eq3A, %eq3A_59 : vector<1000x512xi32>
    %convert_element_type3A = arith.extui %eq3A_60 : vector<1000x512xi1> to vector<1000x512xi32>
    %convert_element_type3A_61 = arith.sitofp %convert_element_type3A : vector<1000x512xi32> to vector<1000x512xf32>
    %slice3A = vector.extract_strided_slice %max3A_49 {offsets = [0, 0], sizes = [1000, 128], strides = [1, 1]} : vector<10000x128xf32> to vector<1000x128xf32>
    %dot_general3A = arith.constant dense<0.000000e+00> : vector<512x128xf32>
    %dot_general3A_62 = tpu.matmul %convert_element_type3A_61, %slice3A, %dot_general3A {dimension_numbers = #tpu.dot_dimension_numbers<[0], [0], [1], [1], [0, 1, 1, 1], [], []>, transpose_lhs_hint = false} : vector<1000x512xf32>, vector<1000x128xf32>, vector<512x128xf32> -> vector<512x128xf32>
    %add3A_63 = arith.addf %broadcast_in_dim3A_53, %dot_general3A_62 : vector<512x128xf32>
    %dot_general3A_64 = arith.constant dense<0.000000e+00> : vector<512x128xf32>
    %dot_general3A_65 = tpu.matmul %convert_element_type3A_61, %broadcast_in_dim3A_51, %dot_general3A_64 {dimension_numbers = #tpu.dot_dimension_numbers<[0], [0], [1], [1], [0, 1, 1, 1], [], []>, transpose_lhs_hint = false} : vector<1000x512xf32>, vector<1000x128xf32>, vector<512x128xf32> -> vector<512x128xf32>
    %add3A_66 = arith.addf %broadcast_in_dim3A_55, %dot_general3A_65 : vector<512x128xf32>
    %get3A_67 = arith.constant 1000 : index
    %get3A_68 = arith.constant 0 : index
    %get3A_69 = vector.load %arg3[%get3A_67, %get3A_68] : memref<10000x1xi32, #tpu.memory_space<vmem>>, vector<1000x1xi32>
    %eq3A_70 = vector.broadcast %get3A_69 : vector<1000x1xi32> to vector<1000x512xi32>
    %eq3A_71 = vector.broadcast %iota3A : vector<1x512xi32> to vector<1000x512xi32>
    %eq3A_72 = arith.cmpi eq, %eq3A_70, %eq3A_71 : vector<1000x512xi32>
    %convert_element_type3A_73 = arith.extui %eq3A_72 : vector<1000x512xi1> to vector<1000x512xi32>
    %convert_element_type3A_74 = arith.sitofp %convert_element_type3A_73 : vector<1000x512xi32> to vector<1000x512xf32>
    %slice3A_75 = vector.extract_strided_slice %max3A_49 {offsets = [1000, 0], sizes = [1000, 128], strides = [1, 1]} : vector<10000x128xf32> to vector<1000x128xf32>
    %dot_general3A_76 = arith.constant dense<0.000000e+00> : vector<512x128xf32>
    %dot_general3A_77 = tpu.matmul %convert_element_type3A_74, %slice3A_75, %dot_general3A_76 {dimension_numbers = #tpu.dot_dimension_numbers<[0], [0], [1], [1], [0, 1, 1, 1], [], []>, transpose_lhs_hint = false} : vector<1000x512xf32>, vector<1000x128xf32>, vector<512x128xf32> -> vector<512x128xf32>
    %add3A_78 = arith.addf %add3A_63, %dot_general3A_77 : vector<512x128xf32>
    %dot_general3A_79 = arith.constant dense<0.000000e+00> : vector<512x128xf32>
    %dot_general3A_80 = tpu.matmul %convert_element_type3A_74, %broadcast_in_dim3A_51, %dot_general3A_79 {dimension_numbers = #tpu.dot_dimension_numbers<[0], [0], [1], [1], [0, 1, 1, 1], [], []>, transpose_lhs_hint = false} : vector<1000x512xf32>, vector<1000x128xf32>, vector<512x128xf32> -> vector<512x128xf32>
    %add3A_81 = arith.addf %add3A_66, %dot_general3A_80 : vector<512x128xf32>
    %get3A_82 = arith.constant 2000 : index
    %get3A_83 = arith.constant 0 : index
    %get3A_84 = vector.load %arg3[%get3A_82, %get3A_83] : memref<10000x1xi32, #tpu.memory_space<vmem>>, vector<1000x1xi32>
    %eq3A_85 = vector.broadcast %get3A_84 : vector<1000x1xi32> to vector<1000x512xi32>
    %eq3A_86 = vector.broadcast %iota3A : vector<1x512xi32> to vector<1000x512xi32>
    %eq3A_87 = arith.cmpi eq, %eq3A_85, %eq3A_86 : vector<1000x512xi32>
    %convert_element_type3A_88 = arith.extui %eq3A_87 : vector<1000x512xi1> to vector<1000x512xi32>
    %convert_element_type3A_89 = arith.sitofp %convert_element_type3A_88 : vector<1000x512xi32> to vector<1000x512xf32>
    %slice3A_90 = vector.extract_strided_slice %max3A_49 {offsets = [2000, 0], sizes = [1000, 128], strides = [1, 1]} : vector<10000x128xf32> to vector<1000x128xf32>
    %dot_general3A_91 = arith.constant dense<0.000000e+00> : vector<512x128xf32>
    %dot_general3A_92 = tpu.matmul %convert_element_type3A_89, %slice3A_90, %dot_general3A_91 {dimension_numbers = #tpu.dot_dimension_numbers<[0], [0], [1], [1], [0, 1, 1, 1], [], []>, transpose_lhs_hint = false} : vector<1000x512xf32>, vector<1000x128xf32>, vector<512x128xf32> -> vector<512x128xf32>
    %add3A_93 = arith.addf %add3A_78, %dot_general3A_92 : vector<512x128xf32>
    %dot_general3A_94 = arith.constant dense<0.000000e+00> : vector<512x128xf32>
    %dot_general3A_95 = tpu.matmul %convert_element_type3A_89, %broadcast_in_dim3A_51, %dot_general3A_94 {dimension_numbers = #tpu.dot_dimension_numbers<[0], [0], [1], [1], [0, 1, 1, 1], [], []>, transpose_lhs_hint = false} : vector<1000x512xf32>, vector<1000x128xf32>, vector<512x128xf32> -> vector<512x128xf32>
    %add3A_96 = arith.addf %add3A_81, %dot_general3A_95 : vector<512x128xf32>
    %get3A_97 = arith.constant 3000 : index
    %get3A_98 = arith.constant 0 : index
    %get3A_99 = vector.load %arg3[%get3A_97, %get3A_98] : memref<10000x1xi32, #tpu.memory_space<vmem>>, vector<1000x1xi32>
    %eq3A_100 = vector.broadcast %get3A_99 : vector<1000x1xi32> to vector<1000x512xi32>
    %eq3A_101 = vector.broadcast %iota3A : vector<1x512xi32> to vector<1000x512xi32>
    %eq3A_102 = arith.cmpi eq, %eq3A_100, %eq3A_101 : vector<1000x512xi32>
    %convert_element_type3A_103 = arith.extui %eq3A_102 : vector<1000x512xi1> to vector<1000x512xi32>
    %convert_element_type3A_104 = arith.sitofp %convert_element_type3A_103 : vector<1000x512xi32> to vector<1000x512xf32>
    %slice3A_105 = vector.extract_strided_slice %max3A_49 {offsets = [3000, 0], sizes = [1000, 128], strides = [1, 1]} : vector<10000x128xf32> to vector<1000x128xf32>
    %dot_general3A_106 = arith.constant dense<0.000000e+00> : vector<512x128xf32>
    %dot_general3A_107 = tpu.matmul %convert_element_type3A_104, %slice3A_105, %dot_general3A_106 {dimension_numbers = #tpu.dot_dimension_numbers<[0], [0], [1], [1], [0, 1, 1, 1], [], []>, transpose_lhs_hint = false} : vector<1000x512xf32>, vector<1000x128xf32>, vector<512x128xf32> -> vector<512x128xf32>
    %add3A_108 = arith.addf %add3A_93, %dot_general3A_107 : vector<512x128xf32>
    %dot_general3A_109 = arith.constant dense<0.000000e+00> : vector<512x128xf32>
    %dot_general3A_110 = tpu.matmul %convert_element_type3A_104, %broadcast_in_dim3A_51, %dot_general3A_109 {dimension_numbers = #tpu.dot_dimension_numbers<[0], [0], [1], [1], [0, 1, 1, 1], [], []>, transpose_lhs_hint = false} : vector<1000x512xf32>, vector<1000x128xf32>, vector<512x128xf32> -> vector<512x128xf32>
    %add3A_111 = arith.addf %add3A_96, %dot_general3A_110 : vector<512x128xf32>
    %get3A_112 = arith.constant 4000 : index
    %get3A_113 = arith.constant 0 : index
    %get3A_114 = vector.load %arg3[%get3A_112, %get3A_113] : memref<10000x1xi32, #tpu.memory_space<vmem>>, vector<1000x1xi32>
    %eq3A_115 = vector.broadcast %get3A_114 : vector<1000x1xi32> to vector<1000x512xi32>
    %eq3A_116 = vector.broadcast %iota3A : vector<1x512xi32> to vector<1000x512xi32>
    %eq3A_117 = arith.cmpi eq, %eq3A_115, %eq3A_116 : vector<1000x512xi32>
    %convert_element_type3A_118 = arith.extui %eq3A_117 : vector<1000x512xi1> to vector<1000x512xi32>
    %convert_element_type3A_119 = arith.sitofp %convert_element_type3A_118 : vector<1000x512xi32> to vector<1000x512xf32>
    %slice3A_120 = vector.extract_strided_slice %max3A_49 {offsets = [4000, 0], sizes = [1000, 128], strides = [1, 1]} : vector<10000x128xf32> to vector<1000x128xf32>
    %dot_general3A_121 = arith.constant dense<0.000000e+00> : vector<512x128xf32>
    %dot_general3A_122 = tpu.matmul %convert_element_type3A_119, %slice3A_120, %dot_general3A_121 {dimension_numbers = #tpu.dot_dimension_numbers<[0], [0], [1], [1], [0, 1, 1, 1], [], []>, transpose_lhs_hint = false} : vector<1000x512xf32>, vector<1000x128xf32>, vector<512x128xf32> -> vector<512x128xf32>
    %add3A_123 = arith.addf %add3A_108, %dot_general3A_122 : vector<512x128xf32>
    %dot_general3A_124 = arith.constant dense<0.000000e+00> : vector<512x128xf32>
    %dot_general3A_125 = tpu.matmul %convert_element_type3A_119, %broadcast_in_dim3A_51, %dot_general3A_124 {dimension_numbers = #tpu.dot_dimension_numbers<[0], [0], [1], [1], [0, 1, 1, 1], [], []>, transpose_lhs_hint = false} : vector<1000x512xf32>, vector<1000x128xf32>, vector<512x128xf32> -> vector<512x128xf32>
    %add3A_126 = arith.addf %add3A_111, %dot_general3A_125 : vector<512x128xf32>
    %get3A_127 = arith.constant 5000 : index
    %get3A_128 = arith.constant 0 : index
    %get3A_129 = vector.load %arg3[%get3A_127, %get3A_128] : memref<10000x1xi32, #tpu.memory_space<vmem>>, vector<1000x1xi32>
    %eq3A_130 = vector.broadcast %get3A_129 : vector<1000x1xi32> to vector<1000x512xi32>
    %eq3A_131 = vector.broadcast %iota3A : vector<1x512xi32> to vector<1000x512xi32>
    %eq3A_132 = arith.cmpi eq, %eq3A_130, %eq3A_131 : vector<1000x512xi32>
    %convert_element_type3A_133 = arith.extui %eq3A_132 : vector<1000x512xi1> to vector<1000x512xi32>
    %convert_element_type3A_134 = arith.sitofp %convert_element_type3A_133 : vector<1000x512xi32> to vector<1000x512xf32>
    %slice3A_135 = vector.extract_strided_slice %max3A_49 {offsets = [5000, 0], sizes = [1000, 128], strides = [1, 1]} : vector<10000x128xf32> to vector<1000x128xf32>
    %dot_general3A_136 = arith.constant dense<0.000000e+00> : vector<512x128xf32>
    %dot_general3A_137 = tpu.matmul %convert_element_type3A_134, %slice3A_135, %dot_general3A_136 {dimension_numbers = #tpu.dot_dimension_numbers<[0], [0], [1], [1], [0, 1, 1, 1], [], []>, transpose_lhs_hint = false} : vector<1000x512xf32>, vector<1000x128xf32>, vector<512x128xf32> -> vector<512x128xf32>
    %add3A_138 = arith.addf %add3A_123, %dot_general3A_137 : vector<512x128xf32>
    %dot_general3A_139 = arith.constant dense<0.000000e+00> : vector<512x128xf32>
    %dot_general3A_140 = tpu.matmul %convert_element_type3A_134, %broadcast_in_dim3A_51, %dot_general3A_139 {dimension_numbers = #tpu.dot_dimension_numbers<[0], [0], [1], [1], [0, 1, 1, 1], [], []>, transpose_lhs_hint = false} : vector<1000x512xf32>, vector<1000x128xf32>, vector<512x128xf32> -> vector<512x128xf32>
    %add3A_141 = arith.addf %add3A_126, %dot_general3A_140 : vector<512x128xf32>
    %get3A_142 = arith.constant 6000 : index
    %get3A_143 = arith.constant 0 : index
    %get3A_144 = vector.load %arg3[%get3A_142, %get3A_143] : memref<10000x1xi32, #tpu.memory_space<vmem>>, vector<1000x1xi32>
    %eq3A_145 = vector.broadcast %get3A_144 : vector<1000x1xi32> to vector<1000x512xi32>
    %eq3A_146 = vector.broadcast %iota3A : vector<1x512xi32> to vector<1000x512xi32>
    %eq3A_147 = arith.cmpi eq, %eq3A_145, %eq3A_146 : vector<1000x512xi32>
    %convert_element_type3A_148 = arith.extui %eq3A_147 : vector<1000x512xi1> to vector<1000x512xi32>
    %convert_element_type3A_149 = arith.sitofp %convert_element_type3A_148 : vector<1000x512xi32> to vector<1000x512xf32>
    %slice3A_150 = vector.extract_strided_slice %max3A_49 {offsets = [6000, 0], sizes = [1000, 128], strides = [1, 1]} : vector<10000x128xf32> to vector<1000x128xf32>
    %dot_general3A_151 = arith.constant dense<0.000000e+00> : vector<512x128xf32>
    %dot_general3A_152 = tpu.matmul %convert_element_type3A_149, %slice3A_150, %dot_general3A_151 {dimension_numbers = #tpu.dot_dimension_numbers<[0], [0], [1], [1], [0, 1, 1, 1], [], []>, transpose_lhs_hint = false} : vector<1000x512xf32>, vector<1000x128xf32>, vector<512x128xf32> -> vector<512x128xf32>
    %add3A_153 = arith.addf %add3A_138, %dot_general3A_152 : vector<512x128xf32>
    %dot_general3A_154 = arith.constant dense<0.000000e+00> : vector<512x128xf32>
    %dot_general3A_155 = tpu.matmul %convert_element_type3A_149, %broadcast_in_dim3A_51, %dot_general3A_154 {dimension_numbers = #tpu.dot_dimension_numbers<[0], [0], [1], [1], [0, 1, 1, 1], [], []>, transpose_lhs_hint = false} : vector<1000x512xf32>, vector<1000x128xf32>, vector<512x128xf32> -> vector<512x128xf32>
    %add3A_156 = arith.addf %add3A_141, %dot_general3A_155 : vector<512x128xf32>
    %get3A_157 = arith.constant 7000 : index
    %get3A_158 = arith.constant 0 : index
    %get3A_159 = vector.load %arg3[%get3A_157, %get3A_158] : memref<10000x1xi32, #tpu.memory_space<vmem>>, vector<1000x1xi32>
    %eq3A_160 = vector.broadcast %get3A_159 : vector<1000x1xi32> to vector<1000x512xi32>
    %eq3A_161 = vector.broadcast %iota3A : vector<1x512xi32> to vector<1000x512xi32>
    %eq3A_162 = arith.cmpi eq, %eq3A_160, %eq3A_161 : vector<1000x512xi32>
    %convert_element_type3A_163 = arith.extui %eq3A_162 : vector<1000x512xi1> to vector<1000x512xi32>
    %convert_element_type3A_164 = arith.sitofp %convert_element_type3A_163 : vector<1000x512xi32> to vector<1000x512xf32>
    %slice3A_165 = vector.extract_strided_slice %max3A_49 {offsets = [7000, 0], sizes = [1000, 128], strides = [1, 1]} : vector<10000x128xf32> to vector<1000x128xf32>
    %dot_general3A_166 = arith.constant dense<0.000000e+00> : vector<512x128xf32>
    %dot_general3A_167 = tpu.matmul %convert_element_type3A_164, %slice3A_165, %dot_general3A_166 {dimension_numbers = #tpu.dot_dimension_numbers<[0], [0], [1], [1], [0, 1, 1, 1], [], []>, transpose_lhs_hint = false} : vector<1000x512xf32>, vector<1000x128xf32>, vector<512x128xf32> -> vector<512x128xf32>
    %add3A_168 = arith.addf %add3A_153, %dot_general3A_167 : vector<512x128xf32>
    %dot_general3A_169 = arith.constant dense<0.000000e+00> : vector<512x128xf32>
    %dot_general3A_170 = tpu.matmul %convert_element_type3A_164, %broadcast_in_dim3A_51, %dot_general3A_169 {dimension_numbers = #tpu.dot_dimension_numbers<[0], [0], [1], [1], [0, 1, 1, 1], [], []>, transpose_lhs_hint = false} : vector<1000x512xf32>, vector<1000x128xf32>, vector<512x128xf32> -> vector<512x128xf32>
    %add3A_171 = arith.addf %add3A_156, %dot_general3A_170 : vector<512x128xf32>
    %get3A_172 = arith.constant 8000 : index
    %get3A_173 = arith.constant 0 : index
    %get3A_174 = vector.load %arg3[%get3A_172, %get3A_173] : memref<10000x1xi32, #tpu.memory_space<vmem>>, vector<1000x1xi32>
    %eq3A_175 = vector.broadcast %get3A_174 : vector<1000x1xi32> to vector<1000x512xi32>
    %eq3A_176 = vector.broadcast %iota3A : vector<1x512xi32> to vector<1000x512xi32>
    %eq3A_177 = arith.cmpi eq, %eq3A_175, %eq3A_176 : vector<1000x512xi32>
    %convert_element_type3A_178 = arith.extui %eq3A_177 : vector<1000x512xi1> to vector<1000x512xi32>
    %convert_element_type3A_179 = arith.sitofp %convert_element_type3A_178 : vector<1000x512xi32> to vector<1000x512xf32>
    %slice3A_180 = vector.extract_strided_slice %max3A_49 {offsets = [8000, 0], sizes = [1000, 128], strides = [1, 1]} : vector<10000x128xf32> to vector<1000x128xf32>
    %dot_general3A_181 = arith.constant dense<0.000000e+00> : vector<512x128xf32>
    %dot_general3A_182 = tpu.matmul %convert_element_type3A_179, %slice3A_180, %dot_general3A_181 {dimension_numbers = #tpu.dot_dimension_numbers<[0], [0], [1], [1], [0, 1, 1, 1], [], []>, transpose_lhs_hint = false} : vector<1000x512xf32>, vector<1000x128xf32>, vector<512x128xf32> -> vector<512x128xf32>
    %add3A_183 = arith.addf %add3A_168, %dot_general3A_182 : vector<512x128xf32>
    %dot_general3A_184 = arith.constant dense<0.000000e+00> : vector<512x128xf32>
    %dot_general3A_185 = tpu.matmul %convert_element_type3A_179, %broadcast_in_dim3A_51, %dot_general3A_184 {dimension_numbers = #tpu.dot_dimension_numbers<[0], [0], [1], [1], [0, 1, 1, 1], [], []>, transpose_lhs_hint = false} : vector<1000x512xf32>, vector<1000x128xf32>, vector<512x128xf32> -> vector<512x128xf32>
    %add3A_186 = arith.addf %add3A_171, %dot_general3A_185 : vector<512x128xf32>
    %get3A_187 = arith.constant 9000 : index
    %get3A_188 = arith.constant 0 : index
    %get3A_189 = vector.load %arg3[%get3A_187, %get3A_188] : memref<10000x1xi32, #tpu.memory_space<vmem>>, vector<1000x1xi32>
    %eq3A_190 = vector.broadcast %get3A_189 : vector<1000x1xi32> to vector<1000x512xi32>
    %eq3A_191 = vector.broadcast %iota3A : vector<1x512xi32> to vector<1000x512xi32>
    %eq3A_192 = arith.cmpi eq, %eq3A_190, %eq3A_191 : vector<1000x512xi32>
    %convert_element_type3A_193 = arith.extui %eq3A_192 : vector<1000x512xi1> to vector<1000x512xi32>
    %convert_element_type3A_194 = arith.sitofp %convert_element_type3A_193 : vector<1000x512xi32> to vector<1000x512xf32>
    %slice3A_195 = vector.extract_strided_slice %max3A_49 {offsets = [9000, 0], sizes = [1000, 128], strides = [1, 1]} : vector<10000x128xf32> to vector<1000x128xf32>
    %dot_general3A_196 = arith.constant dense<0.000000e+00> : vector<512x128xf32>
    %dot_general3A_197 = tpu.matmul %convert_element_type3A_194, %slice3A_195, %dot_general3A_196 {dimension_numbers = #tpu.dot_dimension_numbers<[0], [0], [1], [1], [0, 1, 1, 1], [], []>, transpose_lhs_hint = false} : vector<1000x512xf32>, vector<1000x128xf32>, vector<512x128xf32> -> vector<512x128xf32>
    %add3A_198 = arith.addf %add3A_183, %dot_general3A_197 : vector<512x128xf32>
    %dot_general3A_199 = arith.constant dense<0.000000e+00> : vector<512x128xf32>
    %dot_general3A_200 = tpu.matmul %convert_element_type3A_194, %broadcast_in_dim3A_51, %dot_general3A_199 {dimension_numbers = #tpu.dot_dimension_numbers<[0], [0], [1], [1], [0, 1, 1, 1], [], []>, transpose_lhs_hint = false} : vector<1000x512xf32>, vector<1000x128xf32>, vector<512x128xf32> -> vector<512x128xf32>
    %add3A_201 = arith.addf %add3A_186, %dot_general3A_200 : vector<512x128xf32>
    %max3A_202 = arith.constant 1.000000e+00 : f32
    %max3A_203 = vector.broadcast %max3A_202 : f32 to vector<512x128xf32>
    %max3A_204 = arith.maximumf %add3A_201, %max3A_203 : vector<512x128xf32>
    %div3A_205 = arith.divf %add3A_198, %max3A_204 : vector<512x128xf32>
    %get3A_206 = arith.constant 0 : index
    %get3A_207 = arith.constant 0 : index
    %get3A_208 = vector.load %arg7[%get3A_206, %get3A_207] : memref<2x128xf32, #tpu.memory_space<vmem>>, vector<2x128xf32>
    %dot_general3A_209 = arith.constant dense<0.000000e+00> : vector<512x2xf32>
    %dot_general3A_210 = tpu.matmul %div3A_205, %get3A_208, %dot_general3A_209 {dimension_numbers = #tpu.dot_dimension_numbers<[1], [1], [0], [0], [0, 0, 1, 0], [], []>, transpose_lhs_hint = false} : vector<512x128xf32>, vector<2x128xf32>, vector<512x2xf32> -> vector<512x2xf32>
    %get3A_211 = arith.constant 0 : index
    %get3A_212 = arith.constant 0 : index
    %get3A_213 = vector.load %arg8[%get3A_211, %get3A_212] : memref<1x2xf32, #tpu.memory_space<vmem>>, vector<1x2xf32>
    %add3A_214 = vector.broadcast %get3A_213 : vector<1x2xf32> to vector<512x2xf32>
    %add3A_215 = arith.addf %dot_general3A_210, %add3A_214 : vector<512x2xf32>
    %reduce_sum3A_216 = arith.constant dense<0.000000e+00> : vector<2xf32>
    %reduce_sum3A_217 = vector.multi_reduction <add>, %add3A_215, %reduce_sum3A_216 [0] : vector<512x2xf32> to vector<2xf32>
    %broadcast_in_dim3A_218 = vector.shape_cast %reduce_sum3A_217 : vector<2xf32> to vector<1x2xf32>
    %div3A_219 = arith.constant 5.120000e+02 : f32
    %div3A_220 = vector.broadcast %div3A_219 : f32 to vector<1x2xf32>
    %div3A_221 = arith.divf %broadcast_in_dim3A_218, %div3A_220 : vector<1x2xf32>
    %sub3A_222 = vector.broadcast %div3A_221 : vector<1x2xf32> to vector<512x2xf32>
    %sub3A_223 = arith.subf %add3A_215, %sub3A_222 : vector<512x2xf32>
    %integer_pow3A_224 = arith.mulf %sub3A_223, %sub3A_223 : vector<512x2xf32>
    %reduce_sum3A_225 = arith.constant dense<0.000000e+00> : vector<2xf32>
    %reduce_sum3A_226 = vector.multi_reduction <add>, %integer_pow3A_224, %reduce_sum3A_225 [0] : vector<512x2xf32> to vector<2xf32>
    %broadcast_in_dim3A_227 = vector.shape_cast %reduce_sum3A_226 : vector<2xf32> to vector<1x2xf32>
    %div3A_228 = arith.constant 5.120000e+02 : f32
    %div3A_229 = vector.broadcast %div3A_228 : f32 to vector<1x2xf32>
    %div3A_230 = arith.divf %broadcast_in_dim3A_227, %div3A_229 : vector<1x2xf32>
    %sub3A_231 = vector.broadcast %div3A_221 : vector<1x2xf32> to vector<512x2xf32>
    %sub3A_232 = arith.subf %add3A_215, %sub3A_231 : vector<512x2xf32>
    %add3A_233 = arith.constant 9.99999974E-6 : f32
    %add3A_234 = vector.broadcast %add3A_233 : f32 to vector<1x2xf32>
    %add3A_235 = arith.addf %div3A_230, %add3A_234 : vector<1x2xf32>
    %rsqrt3A_236 = math.rsqrt %add3A_235 : vector<1x2xf32>
    %mul3A_237 = vector.broadcast %rsqrt3A_236 : vector<1x2xf32> to vector<512x2xf32>
    %mul3A_238 = arith.mulf %sub3A_232, %mul3A_237 : vector<512x2xf32>
    %get3A_239 = arith.constant 0 : index
    %get3A_240 = arith.constant 0 : index
    %get3A_241 = vector.load %arg9[%get3A_239, %get3A_240] : memref<1x2xf32, #tpu.memory_space<vmem>>, vector<1x2xf32>
    %mul3A_242 = vector.broadcast %get3A_241 : vector<1x2xf32> to vector<512x2xf32>
    %mul3A_243 = arith.mulf %mul3A_238, %mul3A_242 : vector<512x2xf32>
    %get3A_244 = arith.constant 0 : index
    %get3A_245 = arith.constant 0 : index
    %get3A_246 = vector.load %arg10[%get3A_244, %get3A_245] : memref<1x2xf32, #tpu.memory_space<vmem>>, vector<1x2xf32>
    %add3A_247 = vector.broadcast %get3A_246 : vector<1x2xf32> to vector<512x2xf32>
    %add3A_248 = arith.addf %mul3A_243, %add3A_247 : vector<512x2xf32>
    %swap3A = arith.constant 0 : index
    %swap3A_249 = arith.constant 0 : index
    %swap3A_250 = vector.load %arg11[%swap3A, %swap3A_249] : memref<512x2xf32, #tpu.memory_space<vmem>>, vector<512x2xf32>
    tpu.vector_store %arg11[%swap3A, %swap3A_249], %add3A_248 {strides = array<i32>} : memref<512x2xf32, #tpu.memory_space<vmem>>, vector<512x2xf32>,
    return
  }
}

</mosaic_0001>

<sc_bundles>
// kernel: kernel.5.cloned.1.call-start
scs
__scs_entry_jumppad:
0x0: {  	(pc) =	sbr.rel $0x88, $3  }
0x1: {  	(tag) =	ssettag $0x0;
	lr =	simm.s32 $0x1  }
0x2: {  	[smem:$0x3F96] =	sst lr;
	_ =	strace $0xD0000000  }
0x3: {  	_ = 	snop  }
0x4: {  	_ = 	snop  }
0x5: {  	_ = 	snop  }
0x6: {  	_ = 	snop  }
0x7: {  	_ = 	snop  }
__scs_overlays_trampoline_lowered:
0x8: {  	[smem:$0x3FA5] =	sst s0  }
0x9: {  	[smem:$0x3FA6] =	sst s1  }
0xa: {  	[smem:$0x3FA7] =	sst s2  }
0xb: {  	[smem:$0x3FA8] =	sst s3  }
0xc: {  	[smem:$0x3FA9] =	sst s4  }
0xd: {  	[smem:$0x3FAA] =	sst s5  }
0xe: {  	[smem:$0x3FAB] =	sst s6  }
0xf: {  	[smem:$0x3FAC] =	sst s7  }
0x10: {  	[smem:$0x3FAD] =	sst s8  }
0x11: {  	[smem:$0x3FAE] =	sst s9;
	s0 =	simm.s32 @!p0 $0x0  }
0x12: {  	s1 =	sld [smem:$0x3F94];
	s0 =	simm.s32 @p0 $0x1  }
0x13: {  	[smem:$0x3FAF] =	sst s0;
	s0 =	simm.s32 @!p1 $0x0  }
0x14: {  	s2 =	sld [smem:$0x3F93];
	s0 =	simm.s32 @p1 $0x1  }
0x15: {  	[smem:$0x3FB0] =	sst s0;
	s0 =	simm.s32 @!p2 $0x0  }
0x16: {  	s3 =	sld [smem:$0x3FDB];
	s0 =	simm.s32 @p2 $0x1  }
0x17: {  	s4 =	simm.s32 $0x1BF5;
	[smem:$0x3FB2] =	sst s0  }
0x18: {  	s0 =	sld [smem:$0x3F95];
	_ =	swait.ge [sflag:s4], $0x0  }
0x19: {  	s7 =	sld [smem:$0x3F96]  }
0x1a: {  	s8 =	sadd.s32 $0xFFFFE003, lr  }
0x1b: {  	s9 =	sadd.s32 $0xFFFFFEF7, lr;
	s5 =	simm.s32 $0xFFFFFFFF;
	p2 =	slt.u32 s8, $0xFFFFF086  }
0x1c: {  	p1 =	slt.u32 s9, $0xF7A;
	s5 =	simm.s32 @!p2 $0x0  }
0x1d: {  	s5 =	simm.s32 @p1 $0x1;
	p0 =	seq.s32 s7, s2  }
0x1e: {  	s7 =	smul.u32 @!p0 $0xF7A, s2;
	p2 =	seq.s32 @!p0 s5, $0x0  }
0x1f: {  	s9 =	smul.u32 $0xF7A, s1;
	s8 =	simm.s32 @!p0 $0x1BF5;
	p2 =	por !p2, p0  }
0x20: {  	[sflag:s8] =	ssyncset.s32 @!p0 $0xFFFFF086;
	s6 =	sadd.s32 @!p0 s3, s7;
	s7 =	simm.s32 @!p0 $0x108  }
0x21: {  	s3 =	sadd.s32 s3, s9;
	s6 =	sadd.s32 @!p0 $0x88, s6;
	s7 =	simm.s32 @p2 $0x1082  }
0x22: {  	[simem:s7], [sflag:s8] =	dma.local @!p0 [hbm:s6], $0xF7A  }
0x23: {  	s9 =	sor.u32 $0xD0000000, s2;
	s6 =	simm.s32 $0x108;
	_ =	swait.ge @!p0 [sflag:s8], $0x0  }
0x24: {  	s3 =	sadd.s32 $0x88, s3;
	s6 =	simm.s32 @!p1 $0x1082;
	[sflag:s4] =	ssyncset.s32 $0xFFFFF086  }
0x25: {  	[simem:s6], [sflag:s4] =	dma.local [hbm:s3], $0xF7A  }
0x26: {  	[smem:$0x3F96] =	sst s1;
	(tag) =	ssettag s2;
	_ =	strace s9  }
0x27: {  	s1 =	sld [smem:$0x3FA6]  }
0x28: {  	s2 =	sld [smem:$0x3FA7]  }
0x29: {  	s4 =	sld [smem:$0x3FA9]  }
0x2a: {  	p0 =	seq.s32 s5, $0x0;
	s5 =	sld [smem:$0x3FAA]  }
0x2b: {  	s6 =	sld [smem:$0x3FAB]  }
0x2c: {  	s7 =	sld [smem:$0x3FAC]  }
0x2d: {  	s3 =	simm.s32 $0x108;
	s8 =	sld [smem:$0x3FAD]  }
0x2e: {  	s3 =	simm.s32 @!p0 $0x1082;
	s9 =	sld [smem:$0x3FAE]  }
0x2f: {  	lr =	sadd.s32 s0, s3;
	s0 =	sld [smem:$0x3FA5]  }
0x30: {  	s3 =	sld [smem:$0x3FA8]  }
0x31: {  	[smem:$0x3FB1] =	sst s10  }
0x32: {  	s10 =	sld [smem:$0x3FAF];
	_ =	sdelay $0x3  }
0x33: {  	p0 =	seq.s32 s10, $0x1;
	s10 =	sld [smem:$0x3FB1];
	_ =	sdelay $0x3  }
0x34: {  	[smem:$0x3FB1] =	sst s10  }
0x35: {  	s10 =	sld [smem:$0x3FB0];
	_ =	sdelay $0x3  }
0x36: {  	p1 =	seq.s32 s10, $0x1;
	s10 =	sld [smem:$0x3FB1];
	_ =	sdelay $0x3  }
0x37: {  	[smem:$0x3FB1] =	sst s10  }
0x38: {  	s10 =	sld [smem:$0x3FB2]  }
0x39: {  	_ = 	snop;
	(pc) =	sbr.ind lr, $3  }
0x3a: {  	_ = 	snop  }
0x3b: {  	_ = 	snop  }
0x3c: {  	p2 =	seq.s32 s10, $0x1;
	s10 =	sld [smem:$0x3FB1]  }
0x3d: {  	_ =	shalt  }
0x3e: {  	_ =	shalt  }
0x3f: {  	_ =	shalt  }
0x40: {  	_ =	shalt  }
0x41: {  	_ =	shalt  }
0x42: {  	_ =	shalt  }
0x43: {  	_ =	shalt  }
0x44: {  	_ =	shalt  }
0x45: {  	_ =	shalt  }
0x46: {  	_ =	shalt  }
0x47: {  	_ =	shalt  }
0x48: {  	_ =	shalt  }
0x49: {  	_ =	shalt  }
0x4a: {  	_ =	shalt  }
0x4b: {  	_ =	shalt  }
0x4c: {  	_ =	shalt  }
0x4d: {  	_ =	shalt  }
0x4e: {  	_ =	shalt  }
0x4f: {  	_ =	shalt  }
0x50: {  	_ =	shalt  }
0x51: {  	_ =	shalt  }
0x52: {  	_ =	shalt  }
0x53: {  	_ =	shalt  }
0x54: {  	_ =	shalt  }
0x55: {  	_ =	shalt  }
0x56: {  	_ =	shalt  }
0x57: {  	_ =	shalt  }
0x58: {  	_ =	shalt  }
0x59: {  	_ =	shalt  }
0x5a: {  	_ =	shalt  }
0x5b: {  	_ =	shalt  }
0x5c: {  	_ =	shalt  }
0x5d: {  	_ =	shalt  }
0x5e: {  	_ =	shalt  }
0x5f: {  	_ =	shalt  }
0x60: {  	_ =	shalt  }
0x61: {  	_ =	shalt  }
0x62: {  	_ =	shalt  }
0x63: {  	_ =	shalt  }
0x64: {  	_ =	shalt  }
0x65: {  	_ =	shalt  }
0x66: {  	_ =	shalt  }
0x67: {  	_ =	shalt  }
0x68: {  	_ =	shalt  }
0x69: {  	_ =	shalt  }
0x6a: {  	_ =	shalt  }
0x6b: {  	_ =	shalt  }
0x6c: {  	_ =	shalt  }
0x6d: {  	_ =	shalt  }
0x6e: {  	_ =	shalt  }
0x6f: {  	_ =	shalt  }
0x70: {  	_ =	shalt  }
0x71: {  	_ =	shalt  }
0x72: {  	_ =	shalt  }
0x73: {  	_ =	shalt  }
0x74: {  	_ =	shalt  }
0x75: {  	_ =	shalt  }
0x76: {  	_ =	shalt  }
0x77: {  	_ =	shalt  }
0x78: {  	_ =	shalt  }
0x79: {  	_ =	shalt  }
0x7a: {  	_ =	shalt  }
0x7b: {  	_ =	shalt  }
0x7c: {  	_ =	shalt  }
0x7d: {  	_ =	shalt  }
0x7e: {  	_ =	shalt  }
0x7f: {  	_ =	shalt  }
0x80: {  	_ =	shalt  }
0x81: {  	_ =	shalt  }
0x82: {  	_ =	shalt  }
0x83: {  	_ =	shalt  }
0x84: {  	_ =	shalt  }
0x85: {  	_ =	shalt  }
0x86: {  	_ =	shalt  }
0x87: {  	_ =	shalt  }
.Lfunc_end0:
.L_simem_size_0:
called_computation_lowered:
.L_overlay_start_0:
0x88: {  	s2 =	sld [smem:$0x3FD9]  }
0x89: {  	s3 =	sld [smem:$0x3FFE];
	_ =	sdelay $0x1  }
0x8a: {  	s1 =	srdreg.scid  }
0x8b: {  	s0 =	sand.u32 $0x1, s1  }
0x8c: {  	s16 =	sshll.u32 s0, $0xA;
	s2 =	sadd.s32 s3, s2  }
0x8d: {  	s2 =	sadd.s32 s2, s16  }
0x8e: {  	[smem:$0x3FBD] =	sst s2  }
0x8f: {  	_ = 	snop  }
0x90: {  	(tm) =	ssettm $0x1  }
0x91: {  	s17 =	sld [smem:$0x3FFB];
	_ =	sdelay $0x3  }
0x92: {  	_ =	strace s17  }
0x93: {  	s2 =	sld [smem:$0x3FFC];
	_ =	sdelay $0x3  }
0x94: {  	_ =	strace s2  }
0x95: {  	s2 =	sld [smem:$0x3FFD];
	_ =	sdelay $0x3  }
0x96: {  	_ =	strace s2  }
0x97: {  	_ =	strace $0x8FFFFFFF  }
0x98: {  	s18 =	sld [smem:$0x3FDB];
	_ =	sdelay $0x1  }
0x99: {  	s19 =	simm.s32 $_scs_section_size  }
0x9a: {  	s4 =	simm.s32 $_size__tile_overlayer_lowered;
	s5 =	simm.s32 $_tile_overlayer_lowered  }
0x9b: {  	s22 =	simm.s32 $0x1BFF;
	s21 =	sshll.u32 s5, $0x1;
	s2 =	sadd.s32 s19, s18  }
0x9c: {  	s6 =	simm.s32 $0x0;
	s20 =	sshll.u32 s4, $0x1;
	s4 =	sadd.s32 s21, s2  }
0x9d: {  	[timem:s6], [sflag:s22] =	dma.local [hbm:s4], s20  }
0x9e: {  	_ =	swait.ge [sflag:s22], s20  }
0x9f: {  	s3 =	ssub.s32 $0x0, s20;
	[sflag:s22] =	ssyncset.done $0x0  }
0xa0: {  	[sflag:s22] =	ssyncadd.s32 s3;
	_ =	sdelay $0x1  }
0xa1: {  	s23 =	simm.s32 $0x1B8B  }
0xa2: {  	_ =	swait.ge [sflag:s23], $0x1  }
0xa3: {  	[sflag:s23] =	ssyncset.done $0x0  }
0xa4: {  	s25 =	simm.s32 $0x1B8E;
	s24 =	sld [smem:$0x3FFE];
	[sflag:s23] =	ssyncadd.s32 $0xFFFFFFFF  }
0xa5: {  	s26 =	simm.s32 $execute0_lowered;
	[smem:$0x3FD2] =	sst s25  }
0xa6: {  	s4 =	sshll.u32 s26, $0x1;
	_ =	strace $0x80000046;
	[dreg:$0x1] =	wrdreg $0xFFFFFFFF  }
0xa7: {  	s28 =	simm.s32 $_size_execute0_lowered;
	s2 =	sadd.s32 s2, s4;
	[dreg:$0x0] =	wrdreg $0x0  }
0xa8: {  	s4 =	sshll.u32 s28, $0x1;
	[dreg:$0x2] =	wrdreg s2  }
0xa9: {  	[dreg:$0x3] =	wrdreg s4  }
0xaa: {  	[dreg:$0x4] =	wrdreg $0xC0  }
0xab: {  	_ =	task [dreg:s6], $0x5FFFF  }
0xac: {  	[dreg:$0x1] =	wrdreg $0xFFFFFFFF  }
0xad: {  	[dreg:$0x0] =	wrdreg $0x60  }
0xae: {  	[dreg:$0x2] =	wrdreg s24  }
0xaf: {  	[dreg:$0x3] =	wrdreg $0xA8000  }
0xb0: {  	[dreg:$0x4] =	wrdreg $0x9  }
0xb1: {  	_ =	task.clear_ibuf [dreg:s6], $0x5FFFF;
	_ =	strace $0x90000046  }
0xb2: {  	s29 =	simm.s32 $0x9;
	_ =	strace $0x80000048  }
0xb3: {  	_ =	swait.ge [sflag:s29], $0x1  }
0xb4: {  	[sflag:s29] =	ssyncadd.s32 $0xFFFFFFFF  }
0xb5: {  	_ =	strace $0x90000048  }
0xb6: {  	_ =	sfence  }
0xb7: {  	s30 =	sld [smem:$0x0];
	_ =	sdelay $0x2  }
0xb8: {  	s31 =	sshll.u32 s1, $0xD;
	s1 =	sshrl.u32 s1, $0x2  }
0xb9: {  	s3 =	sand.u32 $0x4000, s31;
	s1 =	sadd.s32 s1, s30  }
0xba: {  	s0 =	sor.u32 s3, s0;
	s1 =	sshll.u32 s1, $0x11  }
0xbb: {  	s0 =	sor.u32 s1, s0  }
0xbc: {  	s0 =	sadd.s32 $0x8F2B, s0  }
0xbd: {  	[sflag:s0] =	ssyncadd.remote.s32 $0x1  }
0xbe: {  	_ =	sfence.sel $0xFFFF  }
0xbf: {  	[dreg:$0x0] =	wrdreg $0xFFFFFFFF;
	(pc) =	sbr.abs _section_cstart, $3  }
0xc0: {  	[dreg:$0x1] =	wrdreg $0xFFFFFFFF  }
0xc1: {  	_ =	task.clear_ibuf [dreg:s6], $0x2FFFF;
	_ =	strace $0x9FFFFFFF  }
0xc2: {  	(tm) =	ssettm $0x7FFFFFFF  }
0xc3: {  	_ =	shalt  }
tec
execute0_lowered:
.L_overlay_start_1:
0x0: {  	(tag) =	ssettag $0x1  }
0x1: {  	s5 =	rddreg [dreg:$0x0];
	s0 =	srdreg.scid  }
0x2: {  	s2 =	rddreg [dreg:$0x1];
	s1 =	stileid.u32  }
0x3: {  	s3 =	simm.s32 $0x0;
	s17 =	simm.s32 $0x5;
	s18 =	simm.s32 $0x1400  }
0x4: {  	s19 =	simm.s32 $0x7D;
	s20 =	simm.s32 $0x80;
	s21 =	simm.s32 $0x6800  }
0x5: {  	s22 =	simm.s32 $0x1;
	s23 =	simm.s32 $0x2;
	s24 =	simm.s32 $0x3  }
0x6: {  	s25 =	simm.s32 $0x4;
	s6 =	sand.u32 $0x1, s0;
	s0 =	rddreg [dreg:$0x2]  }
0x7: {  	s8 =	smul.u32 $0x14000, s1;
	[smem:$0x7FF] =	sst s3;
	s4 =	sadd.s32 $0x2200, s5  }
0x8: {  	s12 =	sadd.s32 $0x4E4200, s5;
	s26 =	smul.u32 $0x50000, s1;
	s28 =	sshll.u32 s1, $0x1  }
0x9: {  	s13 =	sadd.s32 $0x4EE200, s5;
	s7 =	smul.u32 $0x140000, s6;
	s9 =	sor.u32 s6, s28  }
0xa: {  	_ =	strace $0x80000047;
	s29 =	ssub.s32 $0x2, s6;
	s10 =	smul.u32 $0x2800, s9  }
0xb: {  	s31 =	sshrl.u32 s29, $0x1;
	s11 =	smul.u32 $0x500, s9;
	s7 =	sadd.s32 s8, s7  }
0xc: {  	s30 =	sshrl.u32 s26, $0x2;
	s15 =	ssub.s32 s29, s31;
	s7 =	sshrl.u32 s7, $0x3  }
0xd: {  	s16 =	sshrl.u32 s10, $0x3;
	s10 =	sadd.s32 s12, s11;
	s11 =	sadd.s32 s13, s11  }
0xe: {  	s15 =	smax.u32 s15, $0x1;
	s14 =	sadd.s32 s7, s5;
	s5 =	sadd.s32 s30, s2  }
0xf: {  	s16 =	sadd.s32 $0x280, s16;
	s6 =	sadd.s32 $0x4000, s5;
	s7 =	sadd.s32 $0x8000, s5  }
0x10: {  	s8 =	sadd.s32 $0xC000, s5;
	s9 =	sadd.s32 $0x10000, s5;
	s12 =	sadd.s32 s12, s16  }
0x11: {  	v0 =	vimm.f32 $0.0e+00;
	s13 =	sadd.s32 s13, s16;
	s14 =	sadd.s32 $0x29400, s14;
	s16 =	simm.s32 $0x2800  }
.LBB2_1:
0x12: {  	s26 =	simm.s32 $0x0;
	s28 =	simm.s32 $0x200  }
.LBB2_2:
0x13: {  	p0 =	sne.s32 s28, $0xFE00;
	[tilespmem:s26+$0x2870] =	vst v0  }
0x14: {  	[tilespmem:s26+$0x2800] =	vst v0  }
0x15: {  	[tilespmem:s26+$0x2810] =	vst v0  }
.Ltmp0:
0x16: {  	[tilespmem:s26+$0x2820] =	vst v0;
	(pc) =	sbr.rel @p0 .LBB2_2-.Ltmp0, $4  }
0x17: {  	[tilespmem:s26+$0x2830] =	vst v0  }
0x18: {  	[tilespmem:s26+$0x2840] =	vst v0  }
0x19: {  	[tilespmem:s26+$0x2850] =	vst v0  }
0x1a: {  	[tilespmem:s26+$0x2860] =	vst v0;
	s26 =	sshra.s32 s28, $0x2;
	s28 =	sadd.s32 $0x200, s28  }
0x1b: {  	[tilespmem:s26+$0x2870] =	vst v0  }
0x1c: {  	[tilespmem:s26+$0x2800] =	vst v0  }
0x1d: {  	[tilespmem:s26+$0x2810] =	vst v0  }
0x1e: {  	[tilespmem:s26+$0x2820] =	vst v0  }
0x1f: {  	[tilespmem:s26+$0x2830] =	vst v0  }
0x20: {  	[tilespmem:s26+$0x2840] =	vst v0  }
0x21: {  	[tilespmem:s26+$0x2850] =	vst v0  }
0x22: {  	[tilespmem:s26+$0x2860] =	vst v0  }
0x23: {  	[spmem:s5] =	stream.linear.scatter [tilespmem:s16], [sflag:$0x5], $0x4000, $0x38;
	[tilespmem:$0x1E800] =	vst v63  }
0x24: {  	_ =	swait.ge [sflag:s17], $0x4000  }
0x25: {  	[sflag:s17] =	ssyncset.done $0x0  }
0x26: {  	[sflag:s17] =	ssyncadd.s32 $0xFFFFC000  }
0x27: {  	[spmem:s6] =	stream.linear.scatter [tilespmem:s16], [sflag:$0x5], $0x4000, $0x38;
	[tilespmem:$0x1E800] =	vst v63  }
0x28: {  	_ =	swait.ge [sflag:s17], $0x4000  }
0x29: {  	[sflag:s17] =	ssyncset.done $0x0  }
0x2a: {  	[sflag:s17] =	ssyncadd.s32 $0xFFFFC000  }
0x2b: {  	[spmem:s7] =	stream.linear.scatter [tilespmem:s16], [sflag:$0x5], $0x4000, $0x38;
	[tilespmem:$0x1E800] =	vst v63  }
0x2c: {  	_ =	swait.ge [sflag:s17], $0x4000  }
0x2d: {  	[sflag:s17] =	ssyncset.done $0x0  }
0x2e: {  	[sflag:s17] =	ssyncadd.s32 $0xFFFFC000  }
0x2f: {  	[spmem:s8] =	stream.linear.scatter [tilespmem:s16], [sflag:$0x5], $0x4000, $0x38;
	[tilespmem:$0x1E800] =	vst v63  }
0x30: {  	_ =	swait.ge [sflag:s17], $0x4000  }
0x31: {  	[sflag:s17] =	ssyncset.done $0x0  }
0x32: {  	[sflag:s17] =	ssyncadd.s32 $0xFFFFC000  }
0x33: {  	[spmem:s9] =	stream.linear.scatter [tilespmem:s16], [sflag:$0x5], $0x4000, $0x38;
	[tilespmem:$0x1E800] =	vst v63  }
0x34: {  	_ =	swait.ge [sflag:s17], $0x4000  }
0x35: {  	[sflag:s17] =	ssyncset.done $0x0  }
0x36: {  	[sflag:s17] =	ssyncadd.s32 $0xFFFFC000  }
0x37: {  	s31 =	simm.s32 $0x0;
	[bflag:$0x0] =	sbarrier.arrive $0xFFFF  }
0x38: {  	[tilespmem:s31], [sflag:$0x5] =	stream.linear.gather [hbm4b:s10+s31], $0x1400, $0x38;
	[tilespmem:$0x1E800] =	vst v63  }
0x39: {  	_ =	swait.ge [sflag:s17], $0x1400  }
0x3a: {  	[sflag:s17] =	ssyncset.done $0x0  }
0x3b: {  	[sflag:s17] =	ssyncadd.s32 $0xFFFFEC00  }
0x3c: {  	[tilespmem:s18], [sflag:$0x5] =	stream.linear.gather [hbm4b:s11+s31], $0x1400, $0x38;
	[tilespmem:$0x1E800] =	vst v63  }
0x3d: {  	_ =	swait.ge [sflag:s17], $0x1400  }
0x3e: {  	[sflag:s17] =	ssyncset.done $0x0  }
0x3f: {  	[sflag:s17] =	ssyncadd.s32 $0xFFFFEC00  }
0x40: {  	[tilespmem:s16], [sflag:$0x1] =	stream.indirect.gather [hbm4b:s4+s19], $0x80, s31, s19, $0xb8;
	[tilespmem:$0x1E800] =	vst v63  }
0x41: {  	_ = 	snop  }
0x42: {  	[tilespmem:s21], [sflag:$0x2] =	stream.indirect.gather [hbm4b:s4+s19], $0x80, s20, s19, $0xb8;
	[tilespmem:$0x1E800] =	vst v63  }
0x43: {  	_ =	swait.ge [sflag:s22], $0x3E80  }
0x44: {  	[sflag:s22] =	ssyncset.done $0x0  }
0x45: {  	s28 =	simm.s32 $0x1400;
	[sflag:s22] =	ssyncadd.s32 $0xFFFFC180  }
0x46: {  	[spmem:s2] =	stream.indirect.scatter.add.f32 [tilespmem:s16], [sflag:$0x3], $0x80, s28, s19, $0xb8;
	[tilespmem:$0x1E800] =	vst v63  }
0x47: {  	_ =	swait.ge [sflag:s23], $0x3E80  }
0x48: {  	[sflag:s23] =	ssyncset.done $0x0  }
0x49: {  	s28 =	simm.s32 $0x1480;
	[sflag:s23] =	ssyncadd.s32 $0xFFFFC180  }
0x4a: {  	[spmem:s2] =	stream.indirect.scatter.add.f32 [tilespmem:s21], [sflag:$0x4], $0x80, s28, s19, $0xb8;
	[tilespmem:$0x1E800] =	vst v63  }
0x4b: {  	s26 =	smin.u32 s31, $0x24;
	_ =	swait.ge [sflag:s24], $0x3E80  }
0x4c: {  	s28 =	sshll.u32 s26, $0x7;
	[sflag:s24] =	ssyncset.done $0x0  }
0x4d: {  	s26 =	sadd.s32 $0x100, s28;
	[sflag:s24] =	ssyncadd.s32 $0xFFFFC180  }
0x4e: {  	[tilespmem:s16], [sflag:$0x1] =	stream.indirect.gather [hbm4b:s4+s19], $0x80, s26, s19, $0xb8;
	[tilespmem:$0x1E800] =	vst v63  }
0x4f: {  	_ =	swait.ge [sflag:s25], $0x3E80  }
0x50: {  	s29 =	sadd.s32 $0x180, s28;
	[sflag:s25] =	ssyncset.done $0x0  }
0x51: {  	s28 =	simm.s32 $0x1580;
	s26 =	simm.s32 $0x2;
	[sflag:s25] =	ssyncadd.s32 $0xFFFFC180  }
.LBB2_4:
0x52: {  	[tilespmem:s21], [sflag:$0x2] =	stream.indirect.gather [hbm4b:s4+s19], $0x80, s29, s19, $0xb8;
	[tilespmem:$0x1E800] =	vst v63  }
0x53: {  	s29 =	smov.u32 s26  }
0x54: {  	p0 =	sne.s32 s26, $0x26;
	s26 =	sadd.s32 $0x2, s26;
	_ =	swait.ge [sflag:s22], $0x3E80  }
0x55: {  	[sflag:s22] =	ssyncset.done $0x0  }
0x56: {  	s30 =	sadd.s32 $0xFFFFFF80, s28;
	[sflag:s22] =	ssyncadd.s32 $0xFFFFC180  }
0x57: {  	[spmem:s2] =	stream.indirect.scatter.add.f32 [tilespmem:s16], [sflag:$0x3], $0x80, s30, s19, $0xb8;
	[tilespmem:$0x1E800] =	vst v63  }
0x58: {  	_ =	swait.ge [sflag:s23], $0x3E80  }
0x59: {  	[sflag:s23] =	ssyncset.done $0x0  }
0x5a: {  	[sflag:s23] =	ssyncadd.s32 $0xFFFFC180  }
0x5b: {  	[spmem:s2] =	stream.indirect.scatter.add.f32 [tilespmem:s21], [sflag:$0x4], $0x80, s28, s19, $0xb8;
	[tilespmem:$0x1E800] =	vst v63  }
0x5c: {  	s29 =	smin.u32 s29, $0x24;
	_ =	swait.ge [sflag:s24], $0x3E80  }
0x5d: {  	s29 =	sshll.u32 s29, $0x7;
	[sflag:s24] =	ssyncset.done $0x0  }
.Ltmp1:
0x5e: {  	s30 =	sadd.s32 $0x100, s29;
	[sflag:s24] =	ssyncadd.s32 $0xFFFFC180;
	(pc) =	sbr.rel @p0 .LBB2_4-.Ltmp1, $4  }
0x5f: {  	[tilespmem:s16], [sflag:$0x1] =	stream.indirect.gather [hbm4b:s4+s19], $0x80, s30, s19, $0xb8;
	[tilespmem:$0x1E800] =	vst v63  }
0x60: {  	_ =	swait.ge [sflag:s25], $0x3E80  }
0x61: {  	[sflag:s25] =	ssyncset.done $0x0  }
0x62: {  	s29 =	sadd.s32 $0x180, s29;
	s28 =	sadd.s32 $0x100, s28;
	[sflag:s25] =	ssyncadd.s32 $0xFFFFC180  }
0x63: {  	[tilespmem:s21], [sflag:$0x2] =	stream.indirect.gather [hbm4b:s4+s19], $0x80, s29, s19, $0xb8;
	[tilespmem:$0x1E800] =	vst v63  }
0x64: {  	_ =	swait.ge [sflag:s22], $0x3E80  }
0x65: {  	[sflag:s22] =	ssyncset.done $0x0  }
0x66: {  	[sflag:s22] =	ssyncadd.s32 $0xFFFFC180  }
0x67: {  	_ =	swait.ge [sflag:s23], $0x3E80  }
0x68: {  	[sflag:s23] =	ssyncset.done $0x0  }
0x69: {  	s26 =	simm.s32 $0x0;
	[sflag:s23] =	ssyncadd.s32 $0xFFFFC180  }
0x6a: {  	[tilespmem:s26], [sflag:$0x5] =	stream.linear.gather [hbm4b:s12+s26], $0x1400, $0x38;
	[tilespmem:$0x1E800] =	vst v63  }
0x6b: {  	_ =	swait.ge [sflag:s17], $0x1400  }
0x6c: {  	[sflag:s17] =	ssyncset.done $0x0  }
0x6d: {  	[sflag:s17] =	ssyncadd.s32 $0xFFFFEC00  }
0x6e: {  	[tilespmem:s18], [sflag:$0x5] =	stream.linear.gather [hbm4b:s13+s26], $0x1400, $0x38;
	[tilespmem:$0x1E800] =	vst v63  }
0x6f: {  	_ =	swait.ge [sflag:s17], $0x1400  }
0x70: {  	[sflag:s17] =	ssyncset.done $0x0  }
0x71: {  	[sflag:s17] =	ssyncadd.s32 $0xFFFFEC00  }
0x72: {  	[tilespmem:s16], [sflag:$0x1] =	stream.indirect.gather [hbm4b:s4+s19], $0x80, s26, s19, $0xb8;
	[tilespmem:$0x1E800] =	vst v63  }
0x73: {  	_ = 	snop  }
0x74: {  	[tilespmem:s21], [sflag:$0x2] =	stream.indirect.gather [hbm4b:s4+s19], $0x80, s20, s19, $0xb8;
	[tilespmem:$0x1E800] =	vst v63  }
0x75: {  	_ =	swait.ge [sflag:s22], $0x3E80  }
0x76: {  	[sflag:s22] =	ssyncset.done $0x0  }
0x77: {  	s28 =	simm.s32 $0x1400;
	[sflag:s22] =	ssyncadd.s32 $0xFFFFC180  }
0x78: {  	[spmem:s2] =	stream.indirect.scatter.add.f32 [tilespmem:s16], [sflag:$0x3], $0x80, s28, s19, $0xb8;
	[tilespmem:$0x1E800] =	vst v63  }
0x79: {  	_ =	swait.ge [sflag:s23], $0x3E80  }
0x7a: {  	[sflag:s23] =	ssyncset.done $0x0  }
0x7b: {  	s28 =	simm.s32 $0x1480;
	[sflag:s23] =	ssyncadd.s32 $0xFFFFC180  }
0x7c: {  	[spmem:s2] =	stream.indirect.scatter.add.f32 [tilespmem:s21], [sflag:$0x4], $0x80, s28, s19, $0xb8;
	[tilespmem:$0x1E800] =	vst v63  }
0x7d: {  	s26 =	smin.u32 s26, $0x24;
	_ =	swait.ge [sflag:s24], $0x3E80  }
0x7e: {  	s28 =	sshll.u32 s26, $0x7;
	[sflag:s24] =	ssyncset.done $0x0  }
0x7f: {  	s26 =	sadd.s32 $0x100, s28;
	[sflag:s24] =	ssyncadd.s32 $0xFFFFC180  }
0x80: {  	[tilespmem:s16], [sflag:$0x1] =	stream.indirect.gather [hbm4b:s4+s19], $0x80, s26, s19, $0xb8;
	[tilespmem:$0x1E800] =	vst v63  }
0x81: {  	_ =	swait.ge [sflag:s25], $0x3E80  }
0x82: {  	s29 =	sadd.s32 $0x180, s28;
	[sflag:s25] =	ssyncset.done $0x0  }
0x83: {  	s28 =	simm.s32 $0x1580;
	s26 =	simm.s32 $0x2;
	[sflag:s25] =	ssyncadd.s32 $0xFFFFC180  }
.LBB2_6:
0x84: {  	[tilespmem:s21], [sflag:$0x2] =	stream.indirect.gather [hbm4b:s4+s19], $0x80, s29, s19, $0xb8;
	[tilespmem:$0x1E800] =	vst v63  }
0x85: {  	s29 =	smov.u32 s26  }
0x86: {  	p0 =	sne.s32 s26, $0x26;
	s26 =	sadd.s32 $0x2, s26;
	_ =	swait.ge [sflag:s22], $0x3E80  }
0x87: {  	[sflag:s22] =	ssyncset.done $0x0  }
0x88: {  	s30 =	sadd.s32 $0xFFFFFF80, s28;
	[sflag:s22] =	ssyncadd.s32 $0xFFFFC180  }
0x89: {  	[spmem:s2] =	stream.indirect.scatter.add.f32 [tilespmem:s16], [sflag:$0x3], $0x80, s30, s19, $0xb8;
	[tilespmem:$0x1E800] =	vst v63  }
0x8a: {  	_ =	swait.ge [sflag:s23], $0x3E80  }
0x8b: {  	[sflag:s23] =	ssyncset.done $0x0  }
0x8c: {  	[sflag:s23] =	ssyncadd.s32 $0xFFFFC180  }
0x8d: {  	[spmem:s2] =	stream.indirect.scatter.add.f32 [tilespmem:s21], [sflag:$0x4], $0x80, s28, s19, $0xb8;
	[tilespmem:$0x1E800] =	vst v63  }
0x8e: {  	s29 =	smin.u32 s29, $0x24;
	_ =	swait.ge [sflag:s24], $0x3E80  }
0x8f: {  	s29 =	sshll.u32 s29, $0x7;
	[sflag:s24] =	ssyncset.done $0x0  }
.Ltmp2:
0x90: {  	s30 =	sadd.s32 $0x100, s29;
	[sflag:s24] =	ssyncadd.s32 $0xFFFFC180;
	(pc) =	sbr.rel @p0 .LBB2_6-.Ltmp2, $4  }
0x91: {  	[tilespmem:s16], [sflag:$0x1] =	stream.indirect.gather [hbm4b:s4+s19], $0x80, s30, s19, $0xb8;
	[tilespmem:$0x1E800] =	vst v63  }
0x92: {  	_ =	swait.ge [sflag:s25], $0x3E80  }
0x93: {  	[sflag:s25] =	ssyncset.done $0x0  }
0x94: {  	s29 =	sadd.s32 $0x180, s29;
	s28 =	sadd.s32 $0x100, s28;
	[sflag:s25] =	ssyncadd.s32 $0xFFFFC180  }
0x95: {  	[tilespmem:s21], [sflag:$0x2] =	stream.indirect.gather [hbm4b:s4+s19], $0x80, s29, s19, $0xb8;
	[tilespmem:$0x1E800] =	vst v63  }
0x96: {  	_ =	swait.ge [sflag:s22], $0x3E80  }
0x97: {  	[sflag:s22] =	ssyncset.done $0x0  }
0x98: {  	[sflag:s22] =	ssyncadd.s32 $0xFFFFC180  }
0x99: {  	_ =	swait.ge [sflag:s23], $0x3E80  }
0x9a: {  	s26 =	sshll.u32 s1, $0x6;
	s3 =	sadd.s32 $0x1, s3;
	[sflag:s23] =	ssyncset.done $0x0  }
0x9b: {  	s28 =	sshrl.u32 s5, $0x3;
	p0 =	sne.s32 s3, s15;
	[sflag:s23] =	ssyncadd.s32 $0xFFFFC180  }
.Ltmp3:
0x9c: {  	s26 =	sor.u32 $0x1C05, s26;
	[bflag:$0x0] =	sbarrier.arrive $0xFFFF;
	(pc) =	sbr.rel @p0 .LBB2_1-.Ltmp3, $4  }
0x9d: {  	[hbm:s14], [sflag:s26] =	dma.local [spmem:s28], $0x2800  }
0x9e: {  	_ =	swait.ge [sflag:s17], $0x2800  }
0x9f: {  	[sflag:s17] =	ssyncset.done $0x0  }
0xa0: {  	[sflag:s17] =	ssyncadd.s32 $0xFFFFD800  }
0xa1: {  	_ =	sfence.sel $0x180000  }
0xa2: {  	[bflag:$0x0] =	sbarrier.arrive $0xFFFF  }
0xa3: {  	p0 =	sne.s32 s1, $0x0;
	_ =	strace $0x90000047  }
0xa4: {  	s0 =	sadd.s32 @!p0 $0x100000, s0;
	[bflag:$0x2] =	sbarrier.arrive $0xFFFF  }
0xa5: {  	[sflag:s0] =	ssyncadd.tile.s32 @!p0 $0x1;
	_ =	shalt  }
.Lfunc_end2:
_tile_overlayer_lowered:
.L_overlay_start_2:
0xa6: {  	(tag) =	ssettag $0x2  }
0xa7: {  	s0 =	rddreg [dreg:$0x0];
	s2 =	stileid.u32  }
0xa8: {  	s1 =	rddreg [dreg:$0x1];
	p0 =	sne.s32 s2, $0x0  }
0xa9: {  	s3 =	rddreg [dreg:$0x2];
	[bflag:$0x3] =	sbarrier.arrive $0xFFFF;
	s2 =	simm.s32 @!p0 $0x1C05  }
0xaa: {  	[timem:s3], [sflag:s2] =	dma.local @!p0 [hbm:s0], s1  }
0xab: {  	s0 =	simm.s32 @!p0 $0x5  }
0xac: {  	_ =	swait.ge @!p0 [sflag:s0], s1  }
0xad: {  	s1 =	ssub.s32 @!p0 $0x0, s1;
	[sflag:s0] =	ssyncset.done @!p0 $0x0  }
0xae: {  	[sflag:s0] =	ssyncadd.s32 @!p0 s1  }
0xaf: {  	[bflag:$0x3] =	sbarrier.arrive $0xFFFF  }
0xb0: {  	_ =	shalt  }

</sc_bundles>
